<compile_context>
chip_gen: v7x
topology: tpu7x:2x2x1
jax: 0.10.2.dev20260603
libtpu: 0.0.44.dev20260713+nightly
codegen_flags: <defaults>
</compile_context>

<pallas_src>
import functools

import jax
import jax.numpy as jnp
from jax import lax
from jax.experimental import pallas as pl
from jax.experimental.pallas import tpu as pltpu
from jax.experimental.pallas import tpu_sc as plsc

N, E, D, H, C, G, L = 10000, 320000, 128, 128, 16, 64, 4
NC, NS = 2, 16
NW = NC * NS
EPT = E // NW
CHUNK = 128
NCHUNK = 79
EPTP = NCHUNK * CHUNK
NPAD = EPTP - EPT
NP = 10240
RPT = NP // NS
DEGW = 128
RB = 1000
NRB = N // RB


def _deg_body(dst_hbm, ones_hbm, zeros_hbm, out_hbm, dst_v, ones_v, deg_sh):
    cid = lax.axis_index("c")
    sid = lax.axis_index("s")
    wid = sid * NC + cid
    pltpu.sync_copy(dst_hbm.at[wid], dst_v)
    pltpu.sync_copy(ones_hbm.at[pl.ds(0, CHUNK)], ones_v)
    pltpu.sync_copy(zeros_hbm.at[pl.ds(sid * RPT, RPT)],
                    deg_sh.at[pl.ds(sid * RPT, RPT)])
    plsc.subcore_barrier()

    def step(j, carry):
        pltpu.sync_copy(ones_v, deg_sh.at[dst_v.at[j]], add=True)
        return carry

    lax.fori_loop(0, NCHUNK, step, 0)
    plsc.subcore_barrier()
    pltpu.sync_copy(deg_sh.at[pl.ds(sid * RPT, RPT)],
                    out_hbm.at[cid, pl.ds(sid * RPT, RPT)])


def _edge_body(m2_hbm, src_hbm, dst_hbm, zeros_hbm, out_hbm,
               src_v, dst_v, rows_v, agg_sh, sem):
    cid = lax.axis_index("c")
    sid = lax.axis_index("s")
    wid = sid * NC + cid
    pltpu.sync_copy(src_hbm.at[wid], src_v)
    pltpu.sync_copy(dst_hbm.at[wid], dst_v)
    pltpu.sync_copy(zeros_hbm.at[pl.ds(sid * RPT, RPT)],
                    agg_sh.at[pl.ds(sid * RPT, RPT)])
    plsc.subcore_barrier()

    def step(j, carry):
        pltpu.async_copy(m2_hbm.at[src_v.at[j]], rows_v, sem).wait()
        pltpu.sync_copy(rows_v, agg_sh.at[dst_v.at[j]], add=True)
        return carry

    lax.fori_loop(0, NCHUNK, step, 0)
    plsc.subcore_barrier()
    pltpu.sync_copy(agg_sh.at[pl.ds(sid * RPT, RPT)],
                    out_hbm.at[cid, pl.ds(sid * RPT, RPT)])


@functools.cache
def _sc_kernels():
    mesh = plsc.VectorSubcoreMesh(core_axis_name="c", subcore_axis_name="s")
    deg = pl.kernel(
        _deg_body,
        out_type=jax.ShapeDtypeStruct((NC, NP, DEGW), jnp.float32),
        mesh=mesh,
        scratch_types=[
            pltpu.VMEM((NCHUNK, CHUNK), jnp.int32),
            pltpu.VMEM((CHUNK, DEGW), jnp.float32),
            pltpu.VMEM_SHARED((NP, DEGW), jnp.float32),
        ],
    )
    edge = pl.kernel(
        _edge_body,
        out_type=jax.ShapeDtypeStruct((NC, NP, H), jnp.float32),
        mesh=mesh,
        scratch_types=[
            pltpu.VMEM((NCHUNK, CHUNK), jnp.int32),
            pltpu.VMEM((NCHUNK, CHUNK), jnp.int32),
            pltpu.VMEM((CHUNK, H), jnp.float32),
            pltpu.VMEM_SHARED((NP, H), jnp.float32),
            pltpu.SemaphoreType.DMA,
        ],
    )
    return deg, edge


def _deg_pass(dst3, ones_d, zeros_d):
    return _sc_kernels()[0](dst3, ones_d, zeros_d)


def _edge_pass(m2, src3, dst3, zeros_h):
    return _sc_kernels()[1](m2, src3, dst3, zeros_h)



def _mm_body(x_ref, w_ref, out_ref):
    out_ref[...] = jnp.dot(x_ref[...], w_ref[...],
                           preferred_element_type=jnp.float32)


def _scale_body(m0_ref, degp_ref, m2_ref, dis_ref):
    deg = 1.0 + degp_ref[0, :, 0:1] + degp_ref[1, :, 0:1]
    dis = lax.rsqrt(deg)
    dis_ref[...] = dis
    m2_ref[...] = m0_ref[...] * dis


def _layer_body(s_ref, m2p_ref, dis_ref, k1_ref, k2_ref, w_ref, out_ref):
    dis = dis_ref[...]
    t = (s_ref[0] + s_ref[1] + m2p_ref[...]) * dis
    h = jnp.maximum(t * k1_ref[...] + k2_ref[...], 0.0)
    out_ref[...] = jnp.dot(h, w_ref[...],
                           preferred_element_type=jnp.float32) * dis


def _final_body(s_ref, m2p_ref, dis_ref, k1_ref, k2_ref, batch_ref,
                cw1_ref, cb1_ref, cw2_ref, cb2_ref,
                nw1_ref, nb1_ref, nw2_ref, nb2_ref,
                logits_ref, nov_ref, g_acc):
    i = pl.program_id(0)
    t = (s_ref[0] + s_ref[1] + m2p_ref[...]) * dis_ref[...]
    h = jnp.maximum(t * k1_ref[...] + k2_ref[...], 0.0)
    onehot = (batch_ref[...] ==
              lax.broadcasted_iota(jnp.int32, (RB, G), 1)).astype(jnp.float32)
    part = lax.dot_general(onehot, h, (((0,), (0,)), ((), ())),
                           preferred_element_type=jnp.float32)

    @pl.when(i == 0)
    def _():
        g_acc[...] = part

    @pl.when(i > 0)
    def _():
        g_acc[...] = g_acc[...] + part

    @pl.when(i == NRB - 1)
    def _():
        g = g_acc[...]
        t1 = jnp.maximum(jnp.dot(g, cw1_ref[...],
                                 preferred_element_type=jnp.float32)
                         + cb1_ref[...], 0.0)
        logits_ref[...] = jnp.dot(t1, cw2_ref[...],
                                  preferred_element_type=jnp.float32) + cb2_ref[...]
        t2 = jnp.maximum(jnp.dot(g, nw1_ref[...],
                                 preferred_element_type=jnp.float32)
                         + nb1_ref[...], 0.0)
        nov_ref[...] = jax.nn.sigmoid(
            jnp.dot(t2, nw2_ref[...], preferred_element_type=jnp.float32)
            + nb2_ref[...])


_ROW = lambda i: (i, 0)
_CONST2 = lambda i: (0, 0)
_SPLIT = lambda i: (0, i, 0)


def _tc_mm(x, w0):
    return pl.pallas_call(
        _mm_body,
        grid=(NRB,),
        in_specs=[
            pl.BlockSpec((RB, D), _ROW),
            pl.BlockSpec((D, H), _CONST2),
        ],
        out_specs=pl.BlockSpec((RB, H), _ROW),
        out_shape=jax.ShapeDtypeStruct((N, H), jnp.float32),
    )(x, w0)


def _tc_scale(m0, degp):
    return pl.pallas_call(
        _scale_body,
        grid=(NRB,),
        in_specs=[
            pl.BlockSpec((RB, H), _ROW),
            pl.BlockSpec((NC, RB, DEGW), _SPLIT),
        ],
        out_specs=[pl.BlockSpec((RB, H), _ROW), pl.BlockSpec((RB, 1), _ROW)],
        out_shape=[jax.ShapeDtypeStruct((N, H), jnp.float32),
                   jax.ShapeDtypeStruct((N, 1), jnp.float32)],
    )(m0, degp)


def _tc_layer(s, m2, dis2d, k1, k2, w):
    return pl.pallas_call(
        _layer_body,
        grid=(NRB,),
        in_specs=[
            pl.BlockSpec((NC, RB, H), _SPLIT),
            pl.BlockSpec((RB, H), _ROW),
            pl.BlockSpec((RB, 1), _ROW),
            pl.BlockSpec((1, H), _CONST2),
            pl.BlockSpec((1, H), _CONST2),
            pl.BlockSpec((H, H), _CONST2),
        ],
        out_specs=pl.BlockSpec((RB, H), _ROW),
        out_shape=jax.ShapeDtypeStruct((N, H), jnp.float32),
    )(s, m2, dis2d, k1, k2, w)


def _tc_final(s, m2, dis2d, k1, k2, batch2,
              cw1, cb1, cw2, cb2, nw1, nb1, nw2, nb2):
    return pl.pallas_call(
        _final_body,
        grid=(NRB,),
        in_specs=[
            pl.BlockSpec((NC, RB, H), _SPLIT),
            pl.BlockSpec((RB, H), _ROW),
            pl.BlockSpec((RB, 1), _ROW),
            pl.BlockSpec((1, H), _CONST2),
            pl.BlockSpec((1, H), _CONST2),
            pl.BlockSpec((RB, 1), _ROW),
            pl.BlockSpec((H, H), _CONST2),
            pl.BlockSpec((1, H), _CONST2),
            pl.BlockSpec((H, C), _CONST2),
            pl.BlockSpec((1, C), _CONST2),
            pl.BlockSpec((H, H), _CONST2),
            pl.BlockSpec((1, H), _CONST2),
            pl.BlockSpec((H, 1), _CONST2),
            pl.BlockSpec((1, 1), _CONST2),
        ],
        out_specs=[pl.BlockSpec((G, C), _CONST2),
                   pl.BlockSpec((G, 1), _CONST2)],
        out_shape=[jax.ShapeDtypeStruct((G, C), jnp.float32),
                   jax.ShapeDtypeStruct((G, 1), jnp.float32)],
        scratch_shapes=[pltpu.VMEM((G, H), jnp.float32)],
    )(s, m2, dis2d, k1, k2, batch2, cw1, cb1, cw2, cb2, nw1, nb1, nw2, nb2)



def kernel(x, edge_index, batch, conv_W, conv_b, bn_w, bn_b,
           cls_W1, cls_b1, cls_W2, cls_b2, nov_W1, nov_b1, nov_W2, nov_b2):
    src_t = edge_index[0].reshape(NW, EPT)
    dst_t = edge_index[1].reshape(NW, EPT)
    pad_i = jnp.arange(NPAD, dtype=jnp.int32)
    tile_i = jnp.arange(NW, dtype=jnp.int32)[:, None]
    src_pad = (tile_i * 311 + pad_i * 89) % N
    dst_pad = N + ((tile_i * 7 + pad_i) % (NP - N))
    src3 = jnp.concatenate([src_t, src_pad], axis=1).reshape(NW, NCHUNK, CHUNK)
    dst3 = jnp.concatenate([dst_t, dst_pad], axis=1).reshape(NW, NCHUNK, CHUNK)
    zeros_h = jnp.zeros((NP, H), jnp.float32)
    zeros_d = jnp.zeros((NP, DEGW), jnp.float32)
    ones_d = jnp.ones((CHUNK, DEGW), jnp.float32)
    batch2 = batch.reshape(N, 1)

    k1 = bn_w * (1.0 / jnp.sqrt(jnp.float32(1.0 + 1e-5)))
    k2 = conv_b * k1 + bn_b

    degp = _deg_pass(dst3, ones_d, zeros_d)
    m0 = _tc_mm(x, conv_W[0])
    m2, dis2d = _tc_scale(m0, degp)
    for l in range(L - 1):
        s = _edge_pass(m2, src3, dst3, zeros_h)
        m2 = _tc_layer(s, m2, dis2d,
                       k1[l].reshape(1, H), k2[l].reshape(1, H),
                       conv_W[l + 1])
    s = _edge_pass(m2, src3, dst3, zeros_h)
    logits, nov = _tc_final(
        s, m2, dis2d, k1[L - 1].reshape(1, H), k2[L - 1].reshape(1, H),
        batch2,
        cls_W1, cls_b1.reshape(1, H), cls_W2, cls_b2.reshape(1, C),
        nov_W1, nov_b1.reshape(1, H), nov_W2, nov_b2.reshape(1, 1))
    return logits, nov

# --- scband reference (transcript-rebuilt; emitter-appended) ---
"""Pipeline reference for scband-malware-gnn-39908836114735 (READ-ONLY COPY).

The authoritative reference and input builder live on the scoring server;
editing this copy changes nothing except your own understanding.
"""

import jax, jax.numpy as jnp
import numpy as np

N, E, D, H, C, G, L = 10000, 320000, 128, 128, 16, 64, 4

def setup_inputs(seed: int = 0):
    key = jax.random.key(seed)
    ks = jax.random.split(key, 16)
    s = 1.0 / np.sqrt(H)
    return {
        "x": jax.random.normal(ks[0], (N, D), jnp.float32),
        "edge_index": jax.random.randint(ks[1], (2, E), 0, N, dtype=jnp.int32),
        "batch": jnp.sort(jax.random.randint(ks[2], (N,), 0, G, dtype=jnp.int32)),
        "conv_W": jax.random.normal(ks[3], (L, H, H), jnp.float32) * s,
        "conv_b": jnp.zeros((L, H), jnp.float32),
        "bn_w": jnp.ones((L, H), jnp.float32),
        "bn_b": jnp.zeros((L, H), jnp.float32),
        "cls_W1": jax.random.normal(ks[4], (H, H), jnp.float32) * s,
        "cls_b1": jnp.zeros((H,), jnp.float32),
        "cls_W2": jax.random.normal(ks[5], (H, C), jnp.float32) * s,
        "cls_b2": jnp.zeros((C,), jnp.float32),
        "nov_W1": jax.random.normal(ks[6], (H, H), jnp.float32) * s,
        "nov_b1": jnp.zeros((H,), jnp.float32),
        "nov_W2": jax.random.normal(ks[7], (H, 1), jnp.float32) * s,
        "nov_b2": jnp.zeros((1,), jnp.float32),
    }

def _forward(x, edge_index, batch, conv_W, conv_b, bn_w, bn_b, cls_W1, cls_b1, cls_W2, cls_b2, nov_W1, nov_b1, nov_W2, nov_b2):
    n = x.shape[0]
    loop = jnp.arange(n, dtype=edge_index.dtype)
    src = jnp.concatenate([edge_index[0], loop])
    dst = jnp.concatenate([edge_index[1], loop])
    deg = jnp.zeros((n,), x.dtype).at[dst].add(1.0)
    dis = jnp.where(deg > 0, deg ** -0.5, 0.0)
    norm = dis[src] * dis[dst]
    eps = 1e-5
    h = x
    for l in range(L):
        m = h @ conv_W[l]
        agg = jnp.zeros((n, m.shape[1]), m.dtype).at[dst].add(m[src] * norm[:, None]) + conv_b[l]
        # BatchNorm1d in eval mode: running_mean=0, running_var=1
        agg = agg / jnp.sqrt(1.0 + eps) * bn_w[l] + bn_b[l]
        h = jax.nn.relu(agg)
        # dropout is identity in eval mode
    g = jax.ops.segment_sum(h, batch, num_segments=G)
    logits = jax.nn.relu(g @ cls_W1 + cls_b1) @ cls_W2 + cls_b2
    nov = jax.nn.sigmoid(jax.nn.relu(g @ nov_W1 + nov_b1) @ nov_W2 + nov_b2)
    return logits, nov

def reference(x, edge_index, batch, conv_W, conv_b, bn_w, bn_b, cls_W1, cls_b1, cls_W2, cls_b2, nov_W1, nov_b1, nov_W2, nov_b2):
    return _forward(x, edge_index, batch, conv_W, conv_b, bn_w, bn_b, cls_W1, cls_b1, cls_W2, cls_b2, nov_W1, nov_b1, nov_W2, nov_b2)

if __name__ == "__main__":
    import jax
    _d = setup_inputs()
    print(jax.jit(kernel)(*tuple(_d.values())))

</pallas_src>

<mosaic_0001>
#map = affine_map<(d0, d1) -> (0, 0)>
#map1 = affine_map<(d0, d1) -> (0, 0, 0)>
module attributes {stable_mosaic.version = 14 : i64} {
  func.func @_edge_body(%arg0: i32, %arg1: i32, %arg2: memref<10000x128xf32, #tpu.memory_space<hbm>>, %arg3: memref<32x79x128xi32, #tpu.memory_space<hbm>>, %arg4: memref<32x79x128xi32, #tpu.memory_space<hbm>>, %arg5: memref<10240x128xf32, #tpu.memory_space<hbm>>, %arg6: memref<2x10240x128xf32, #tpu.memory_space<hbm>>, %arg7: memref<79x128xi32, #tpu.memory_space<vmem>>, %arg8: memref<79x128xi32, #tpu.memory_space<vmem>>, %arg9: memref<128x128xf32, #tpu.memory_space<vmem>>, %arg10: memref<10240x128xf32, #tpu.memory_space<vmem_shared>>, %arg11: memref<!tpu.dma_semaphore, #tpu.memory_space<semaphore_mem>>) attributes {dimension_semantics = [#tpu.dimension_semantics<core_parallel>, #tpu.dimension_semantics<subcore_parallel>], iteration_bounds = array<i64: 2, 16>, scalar_prefetch = 0 : i64, scratch_operands = 5 : i64, tpu.core_type = #tpu.core_type<sc_vector_subcore>, window_params = [{transform_indices = #map}, {transform_indices = #map1}, {transform_indices = #map1}, {transform_indices = #map}, {transform_indices = #map1}]} {
    %mul3A = arith.constant 2 : i32
    %mul3A_0 = arith.muli %arg1, %mul3A : i32
    %add3A = arith.addi %mul3A_0, %arg0 : i32
    "tpu.region"() ({
      %run_scoped3A = tpu.sem_alloc : memref<!tpu.dma_semaphore, #tpu.memory_space<semaphore_mem>>
      %dma_start3A = arith.constant 0 : i32
      %dma_start3A_15 = arith.constant 0 : i32
      %dma_start3A_16 = tpu.memref_slice %arg3[%add3A, %dma_start3A, %dma_start3A_15] : memref<32x79x128xi32, #tpu.memory_space<hbm>> -> memref<1x79x128xi32, #tpu.memory_space<hbm>>
      %dma_start3A_17 = tpu.memref_squeeze %dma_start3A_16 : memref<1x79x128xi32, #tpu.memory_space<hbm>> -> memref<79x128xi32, #tpu.memory_space<hbm>>
      %dma_start3A_18 = arith.constant 0 : i32
      %dma_start3A_19 = arith.constant 0 : i32
      %dma_start3A_20 = tpu.memref_slice %arg3[%add3A, %dma_start3A_18, %dma_start3A_19] : memref<32x79x128xi32, #tpu.memory_space<hbm>> -> memref<1x79x128xi32, #tpu.memory_space<hbm>>
      %dma_start3A_21 = tpu.memref_squeeze %dma_start3A_20 : memref<1x79x128xi32, #tpu.memory_space<hbm>> -> memref<79x128xi32, #tpu.memory_space<hbm>>
      tpu.enqueue_dma source(%dma_start3A_21 : memref<79x128xi32, #tpu.memory_space<hbm>>) target(%arg7 : memref<79x128xi32, #tpu.memory_space<vmem>>) target_semaphore(%run_scoped3A : memref<!tpu.dma_semaphore, #tpu.memory_space<semaphore_mem>>)
      %dma_wait3A = arith.constant 0 : i32
      %dma_wait3A_22 = arith.constant 0 : i32
      %dma_wait3A_23 = tpu.memref_slice %arg3[%add3A, %dma_wait3A, %dma_wait3A_22] : memref<32x79x128xi32, #tpu.memory_space<hbm>> -> memref<1x79x128xi32, #tpu.memory_space<hbm>>
      %dma_wait3A_24 = tpu.memref_squeeze %dma_wait3A_23 : memref<1x79x128xi32, #tpu.memory_space<hbm>> -> memref<79x128xi32, #tpu.memory_space<hbm>>
      %dma_wait3A_25 = arith.constant 0 : i32
      %dma_wait3A_26 = arith.constant 0 : i32
      %dma_wait3A_27 = tpu.memref_slice %arg3[%add3A, %dma_wait3A_25, %dma_wait3A_26] : memref<32x79x128xi32, #tpu.memory_space<hbm>> -> memref<1x79x128xi32, #tpu.memory_space<hbm>>
      %dma_wait3A_28 = tpu.memref_squeeze %dma_wait3A_27 : memref<1x79x128xi32, #tpu.memory_space<hbm>> -> memref<79x128xi32, #tpu.memory_space<hbm>>
      tpu.wait_dma2 semaphore(%run_scoped3A : memref<!tpu.dma_semaphore, #tpu.memory_space<semaphore_mem>>) src(%dma_wait3A_28 : memref<79x128xi32, #tpu.memory_space<hbm>>) dst(%arg7 : memref<79x128xi32, #tpu.memory_space<vmem>>)
      tpu.yield
    }) : () -> ()
    "tpu.region"() ({
      %run_scoped3A = tpu.sem_alloc : memref<!tpu.dma_semaphore, #tpu.memory_space<semaphore_mem>>
      %dma_start3A = arith.constant 0 : i32
      %dma_start3A_15 = arith.constant 0 : i32
      %dma_start3A_16 = tpu.memref_slice %arg4[%add3A, %dma_start3A, %dma_start3A_15] : memref<32x79x128xi32, #tpu.memory_space<hbm>> -> memref<1x79x128xi32, #tpu.memory_space<hbm>>
      %dma_start3A_17 = tpu.memref_squeeze %dma_start3A_16 : memref<1x79x128xi32, #tpu.memory_space<hbm>> -> memref<79x128xi32, #tpu.memory_space<hbm>>
      %dma_start3A_18 = arith.constant 0 : i32
      %dma_start3A_19 = arith.constant 0 : i32
      %dma_start3A_20 = tpu.memref_slice %arg4[%add3A, %dma_start3A_18, %dma_start3A_19] : memref<32x79x128xi32, #tpu.memory_space<hbm>> -> memref<1x79x128xi32, #tpu.memory_space<hbm>>
      %dma_start3A_21 = tpu.memref_squeeze %dma_start3A_20 : memref<1x79x128xi32, #tpu.memory_space<hbm>> -> memref<79x128xi32, #tpu.memory_space<hbm>>
      tpu.enqueue_dma source(%dma_start3A_21 : memref<79x128xi32, #tpu.memory_space<hbm>>) target(%arg8 : memref<79x128xi32, #tpu.memory_space<vmem>>) target_semaphore(%run_scoped3A : memref<!tpu.dma_semaphore, #tpu.memory_space<semaphore_mem>>)
      %dma_wait3A = arith.constant 0 : i32
      %dma_wait3A_22 = arith.constant 0 : i32
      %dma_wait3A_23 = tpu.memref_slice %arg4[%add3A, %dma_wait3A, %dma_wait3A_22] : memref<32x79x128xi32, #tpu.memory_space<hbm>> -> memref<1x79x128xi32, #tpu.memory_space<hbm>>
      %dma_wait3A_24 = tpu.memref_squeeze %dma_wait3A_23 : memref<1x79x128xi32, #tpu.memory_space<hbm>> -> memref<79x128xi32, #tpu.memory_space<hbm>>
      %dma_wait3A_25 = arith.constant 0 : i32
      %dma_wait3A_26 = arith.constant 0 : i32
      %dma_wait3A_27 = tpu.memref_slice %arg4[%add3A, %dma_wait3A_25, %dma_wait3A_26] : memref<32x79x128xi32, #tpu.memory_space<hbm>> -> memref<1x79x128xi32, #tpu.memory_space<hbm>>
      %dma_wait3A_28 = tpu.memref_squeeze %dma_wait3A_27 : memref<1x79x128xi32, #tpu.memory_space<hbm>> -> memref<79x128xi32, #tpu.memory_space<hbm>>
      tpu.wait_dma2 semaphore(%run_scoped3A : memref<!tpu.dma_semaphore, #tpu.memory_space<semaphore_mem>>) src(%dma_wait3A_28 : memref<79x128xi32, #tpu.memory_space<hbm>>) dst(%arg8 : memref<79x128xi32, #tpu.memory_space<vmem>>)
      tpu.yield
    }) : () -> ()
    %mul3A_1 = arith.constant 640 : i32
    %mul3A_2 = arith.muli %arg1, %mul3A_1 : i32
    %mul3A_3 = arith.constant 640 : i32
    %mul3A_4 = arith.muli %arg1, %mul3A_3 : i32
    "tpu.region"() ({
      %run_scoped3A = tpu.sem_alloc : memref<!tpu.dma_semaphore, #tpu.memory_space<semaphore_mem>>
      %dma_start3A = arith.constant 0 : i32
      %dma_start3A_15 = tpu.memref_slice %arg10[%mul3A_4, %dma_start3A] : memref<10240x128xf32, #tpu.memory_space<vmem_shared>> -> memref<640x128xf32, #tpu.memory_space<vmem_shared>>
      %dma_start3A_16 = arith.constant 0 : i32
      %dma_start3A_17 = tpu.memref_slice %arg5[%mul3A_2, %dma_start3A_16] : memref<10240x128xf32, #tpu.memory_space<hbm>> -> memref<640x128xf32, #tpu.memory_space<hbm>>
      tpu.enqueue_dma source(%dma_start3A_17 : memref<640x128xf32, #tpu.memory_space<hbm>>) target(%dma_start3A_15 : memref<640x128xf32, #tpu.memory_space<vmem_shared>>) target_semaphore(%run_scoped3A : memref<!tpu.dma_semaphore, #tpu.memory_space<semaphore_mem>>)
      %dma_wait3A = arith.constant 0 : i32
      %dma_wait3A_18 = tpu.memref_slice %arg10[%mul3A_4, %dma_wait3A] : memref<10240x128xf32, #tpu.memory_space<vmem_shared>> -> memref<640x128xf32, #tpu.memory_space<vmem_shared>>
      %dma_wait3A_19 = arith.constant 0 : i32
      %dma_wait3A_20 = tpu.memref_slice %arg5[%mul3A_2, %dma_wait3A_19] : memref<10240x128xf32, #tpu.memory_space<hbm>> -> memref<640x128xf32, #tpu.memory_space<hbm>>
      tpu.wait_dma2 semaphore(%run_scoped3A : memref<!tpu.dma_semaphore, #tpu.memory_space<semaphore_mem>>) src(%dma_wait3A_20 : memref<640x128xf32, #tpu.memory_space<hbm>>) dst(%dma_wait3A_18 : memref<640x128xf32, #tpu.memory_space<vmem_shared>>)
      tpu.yield
    }) : () -> ()
    %barrier3A = arith.constant 0 : index
    tpu.barrier barrier_id(%barrier3A)
    %scan3A = arith.constant 0 : i32
    %scan3A_5 = arith.constant 0 : i32
    %scan3A_6 = arith.constant 79 : i32
    %scan3A_7 = arith.addi %scan3A_5, %scan3A_6 : i32
    %scan3A_8 = arith.constant 1 : i32
    scf.for %scan3A_15 = %scan3A_5 to %scan3A_7 step %scan3A_8  : i32 {
      %dma_start3A = arith.constant 0 : i32
      %dma_start3A_16 = tpu.memref_slice %arg7[%scan3A_15, %dma_start3A] : memref<79x128xi32, #tpu.memory_space<vmem>> -> memref<1x128xi32, #tpu.memory_space<vmem>>
      %dma_start3A_17 = tpu.memref_squeeze %dma_start3A_16 : memref<1x128xi32, #tpu.memory_space<vmem>> -> memref<128xi32, #tpu.memory_space<vmem>>
      %dma_start3A_18 = arith.constant 0 : i32
      %dma_start3A_19 = arith.constant 0 : i32
      %dma_start3A_20 = tpu.memref_slice %arg2[%dma_start3A_18, %dma_start3A_19] : memref<10000x128xf32, #tpu.memory_space<hbm>> -> memref<10000x128xf32, #tpu.memory_space<hbm>>
      tpu.enqueue_indirect_dma source(%dma_start3A_20 : memref<10000x128xf32, #tpu.memory_space<hbm>>) target(%arg9 : memref<128x128xf32, #tpu.memory_space<vmem>>) offsets(%dma_start3A_17 : memref<128xi32, #tpu.memory_space<vmem>>) semaphore(%arg11 : memref<!tpu.dma_semaphore, #tpu.memory_space<semaphore_mem>>)
      %dma_wait3A = arith.constant 0 : i32
      %dma_wait3A_21 = tpu.memref_slice %arg7[%scan3A_15, %dma_wait3A] : memref<79x128xi32, #tpu.memory_space<vmem>> -> memref<1x128xi32, #tpu.memory_space<vmem>>
      %dma_wait3A_22 = tpu.memref_squeeze %dma_wait3A_21 : memref<1x128xi32, #tpu.memory_space<vmem>> -> memref<128xi32, #tpu.memory_space<vmem>>
      %dma_wait3A_23 = arith.constant 0 : i32
      %dma_wait3A_24 = arith.constant 0 : i32
      %dma_wait3A_25 = tpu.memref_slice %arg2[%dma_wait3A_23, %dma_wait3A_24] : memref<10000x128xf32, #tpu.memory_space<hbm>> -> memref<10000x128xf32, #tpu.memory_space<hbm>>
      tpu.wait_indirect_dma semaphore(%arg11 : memref<!tpu.dma_semaphore, #tpu.memory_space<semaphore_mem>>) src(%dma_wait3A_25 : memref<10000x128xf32, #tpu.memory_space<hbm>>) dst(%arg9 : memref<128x128xf32, #tpu.memory_space<vmem>>)
      "tpu.region"() ({
        %run_scoped3A = tpu.sem_alloc : memref<!tpu.dma_semaphore, #tpu.memory_space<semaphore_mem>>
        %dma_start3A_26 = arith.constant 0 : i32
        %dma_start3A_27 = tpu.memref_slice %arg8[%scan3A_15, %dma_start3A_26] : memref<79x128xi32, #tpu.memory_space<vmem>> -> memref<1x128xi32, #tpu.memory_space<vmem>>
        %dma_start3A_28 = tpu.memref_squeeze %dma_start3A_27 : memref<1x128xi32, #tpu.memory_space<vmem>> -> memref<128xi32, #tpu.memory_space<vmem>>
        %dma_start3A_29 = arith.constant 0 : i32
        %dma_start3A_30 = arith.constant 0 : i32
        %dma_start3A_31 = tpu.memref_slice %arg10[%dma_start3A_29, %dma_start3A_30] : memref<10240x128xf32, #tpu.memory_space<vmem_shared>> -> memref<10240x128xf32, #tpu.memory_space<vmem_shared>>
        tpu.enqueue_indirect_dma source(%arg9 : memref<128x128xf32, #tpu.memory_space<vmem>>) target(%dma_start3A_31 : memref<10240x128xf32, #tpu.memory_space<vmem_shared>>) offsets(%dma_start3A_28 : memref<128xi32, #tpu.memory_space<vmem>>) semaphore(%run_scoped3A : memref<!tpu.dma_semaphore, #tpu.memory_space<semaphore_mem>>) {add = true}
        %dma_wait3A_32 = arith.constant 0 : i32
        %dma_wait3A_33 = tpu.memref_slice %arg8[%scan3A_15, %dma_wait3A_32] : memref<79x128xi32, #tpu.memory_space<vmem>> -> memref<1x128xi32, #tpu.memory_space<vmem>>
        %dma_wait3A_34 = tpu.memref_squeeze %dma_wait3A_33 : memref<1x128xi32, #tpu.memory_space<vmem>> -> memref<128xi32, #tpu.memory_space<vmem>>
        %dma_wait3A_35 = arith.constant 0 : i32
        %dma_wait3A_36 = arith.constant 0 : i32
        %dma_wait3A_37 = tpu.memref_slice %arg10[%dma_wait3A_35, %dma_wait3A_36] : memref<10240x128xf32, #tpu.memory_space<vmem_shared>> -> memref<10240x128xf32, #tpu.memory_space<vmem_shared>>
        tpu.wait_indirect_dma semaphore(%run_scoped3A : memref<!tpu.dma_semaphore, #tpu.memory_space<semaphore_mem>>) src(%arg9 : memref<128x128xf32, #tpu.memory_space<vmem>>) dst(%dma_wait3A_37 : memref<10240x128xf32, #tpu.memory_space<vmem_shared>>)
        tpu.yield
      }) : () -> ()
    }
    %scan3A_9 = arith.constant 79 : i32
    %barrier3A_10 = arith.constant 0 : index
    tpu.barrier barrier_id(%barrier3A_10)
    %mul3A_11 = arith.constant 640 : i32
    %mul3A_12 = arith.muli %arg1, %mul3A_11 : i32
    %mul3A_13 = arith.constant 640 : i32
    %mul3A_14 = arith.muli %arg1, %mul3A_13 : i32
    "tpu.region"() ({
      %run_scoped3A = tpu.sem_alloc : memref<!tpu.dma_semaphore, #tpu.memory_space<semaphore_mem>>
      %dma_start3A = arith.constant 0 : i32
      %dma_start3A_15 = tpu.memref_slice %arg6[%arg0, %mul3A_14, %dma_start3A] : memref<2x10240x128xf32, #tpu.memory_space<hbm>> -> memref<1x640x128xf32, #tpu.memory_space<hbm>>
      %dma_start3A_16 = tpu.memref_squeeze %dma_start3A_15 : memref<1x640x128xf32, #tpu.memory_space<hbm>> -> memref<640x128xf32, #tpu.memory_space<hbm>>
      %dma_start3A_17 = arith.constant 0 : i32
      %dma_start3A_18 = tpu.memref_slice %arg10[%mul3A_12, %dma_start3A_17] : memref<10240x128xf32, #tpu.memory_space<vmem_shared>> -> memref<640x128xf32, #tpu.memory_space<vmem_shared>>
      tpu.enqueue_dma source(%dma_start3A_18 : memref<640x128xf32, #tpu.memory_space<vmem_shared>>) target(%dma_start3A_16 : memref<640x128xf32, #tpu.memory_space<hbm>>) target_semaphore(%run_scoped3A : memref<!tpu.dma_semaphore, #tpu.memory_space<semaphore_mem>>)
      %dma_wait3A = arith.constant 0 : i32
      %dma_wait3A_19 = tpu.memref_slice %arg6[%arg0, %mul3A_14, %dma_wait3A] : memref<2x10240x128xf32, #tpu.memory_space<hbm>> -> memref<1x640x128xf32, #tpu.memory_space<hbm>>
      %dma_wait3A_20 = tpu.memref_squeeze %dma_wait3A_19 : memref<1x640x128xf32, #tpu.memory_space<hbm>> -> memref<640x128xf32, #tpu.memory_space<hbm>>
      %dma_wait3A_21 = arith.constant 0 : i32
      %dma_wait3A_22 = tpu.memref_slice %arg10[%mul3A_12, %dma_wait3A_21] : memref<10240x128xf32, #tpu.memory_space<vmem_shared>> -> memref<640x128xf32, #tpu.memory_space<vmem_shared>>
      tpu.wait_dma2 semaphore(%run_scoped3A : memref<!tpu.dma_semaphore, #tpu.memory_space<semaphore_mem>>) src(%dma_wait3A_22 : memref<640x128xf32, #tpu.memory_space<vmem_shared>>) dst(%dma_wait3A_20 : memref<640x128xf32, #tpu.memory_space<hbm>>)
      tpu.yield
    }) : () -> ()
    return
  }
}

#map = affine_map<(d0, d1) -> (0, 0, 0)>
#map1 = affine_map<(d0, d1) -> (0, 0)>
module attributes {stable_mosaic.version = 14 : i64} {
  func.func @_deg_body(%arg0: i32, %arg1: i32, %arg2: memref<32x79x128xi32, #tpu.memory_space<hbm>>, %arg3: memref<128x128xf32, #tpu.memory_space<hbm>>, %arg4: memref<10240x128xf32, #tpu.memory_space<hbm>>, %arg5: memref<2x10240x128xf32, #tpu.memory_space<hbm>>, %arg6: memref<79x128xi32, #tpu.memory_space<vmem>>, %arg7: memref<128x128xf32, #tpu.memory_space<vmem>>, %arg8: memref<10240x128xf32, #tpu.memory_space<vmem_shared>>) attributes {dimension_semantics = [#tpu.dimension_semantics<core_parallel>, #tpu.dimension_semantics<subcore_parallel>], iteration_bounds = array<i64: 2, 16>, scalar_prefetch = 0 : i64, scratch_operands = 3 : i64, tpu.core_type = #tpu.core_type<sc_vector_subcore>, window_params = [{transform_indices = #map}, {transform_indices = #map1}, {transform_indices = #map1}, {transform_indices = #map}]} {
    %mul3A = arith.constant 2 : i32
    %mul3A_0 = arith.muli %arg1, %mul3A : i32
    %add3A = arith.addi %mul3A_0, %arg0 : i32
    "tpu.region"() ({
      %run_scoped3A = tpu.sem_alloc : memref<!tpu.dma_semaphore, #tpu.memory_space<semaphore_mem>>
      %dma_start3A = arith.constant 0 : i32
      %dma_start3A_15 = arith.constant 0 : i32
      %dma_start3A_16 = tpu.memref_slice %arg2[%add3A, %dma_start3A, %dma_start3A_15] : memref<32x79x128xi32, #tpu.memory_space<hbm>> -> memref<1x79x128xi32, #tpu.memory_space<hbm>>
      %dma_start3A_17 = tpu.memref_squeeze %dma_start3A_16 : memref<1x79x128xi32, #tpu.memory_space<hbm>> -> memref<79x128xi32, #tpu.memory_space<hbm>>
      %dma_start3A_18 = arith.constant 0 : i32
      %dma_start3A_19 = arith.constant 0 : i32
      %dma_start3A_20 = tpu.memref_slice %arg2[%add3A, %dma_start3A_18, %dma_start3A_19] : memref<32x79x128xi32, #tpu.memory_space<hbm>> -> memref<1x79x128xi32, #tpu.memory_space<hbm>>
      %dma_start3A_21 = tpu.memref_squeeze %dma_start3A_20 : memref<1x79x128xi32, #tpu.memory_space<hbm>> -> memref<79x128xi32, #tpu.memory_space<hbm>>
      tpu.enqueue_dma source(%dma_start3A_21 : memref<79x128xi32, #tpu.memory_space<hbm>>) target(%arg6 : memref<79x128xi32, #tpu.memory_space<vmem>>) target_semaphore(%run_scoped3A : memref<!tpu.dma_semaphore, #tpu.memory_space<semaphore_mem>>)
      %dma_wait3A = arith.constant 0 : i32
      %dma_wait3A_22 = arith.constant 0 : i32
      %dma_wait3A_23 = tpu.memref_slice %arg2[%add3A, %dma_wait3A, %dma_wait3A_22] : memref<32x79x128xi32, #tpu.memory_space<hbm>> -> memref<1x79x128xi32, #tpu.memory_space<hbm>>
      %dma_wait3A_24 = tpu.memref_squeeze %dma_wait3A_23 : memref<1x79x128xi32, #tpu.memory_space<hbm>> -> memref<79x128xi32, #tpu.memory_space<hbm>>
      %dma_wait3A_25 = arith.constant 0 : i32
      %dma_wait3A_26 = arith.constant 0 : i32
      %dma_wait3A_27 = tpu.memref_slice %arg2[%add3A, %dma_wait3A_25, %dma_wait3A_26] : memref<32x79x128xi32, #tpu.memory_space<hbm>> -> memref<1x79x128xi32, #tpu.memory_space<hbm>>
      %dma_wait3A_28 = tpu.memref_squeeze %dma_wait3A_27 : memref<1x79x128xi32, #tpu.memory_space<hbm>> -> memref<79x128xi32, #tpu.memory_space<hbm>>
      tpu.wait_dma2 semaphore(%run_scoped3A : memref<!tpu.dma_semaphore, #tpu.memory_space<semaphore_mem>>) src(%dma_wait3A_28 : memref<79x128xi32, #tpu.memory_space<hbm>>) dst(%arg6 : memref<79x128xi32, #tpu.memory_space<vmem>>)
      tpu.yield
    }) : () -> ()
    "tpu.region"() ({
      %run_scoped3A = tpu.sem_alloc : memref<!tpu.dma_semaphore, #tpu.memory_space<semaphore_mem>>
      %dma_start3A = arith.constant 0 : i32
      %dma_start3A_15 = arith.constant 0 : i32
      %dma_start3A_16 = tpu.memref_slice %arg3[%dma_start3A, %dma_start3A_15] : memref<128x128xf32, #tpu.memory_space<hbm>> -> memref<128x128xf32, #tpu.memory_space<hbm>>
      %dma_start3A_17 = arith.constant 0 : i32
      %dma_start3A_18 = arith.constant 0 : i32
      %dma_start3A_19 = tpu.memref_slice %arg3[%dma_start3A_17, %dma_start3A_18] : memref<128x128xf32, #tpu.memory_space<hbm>> -> memref<128x128xf32, #tpu.memory_space<hbm>>
      tpu.enqueue_dma source(%dma_start3A_19 : memref<128x128xf32, #tpu.memory_space<hbm>>) target(%arg7 : memref<128x128xf32, #tpu.memory_space<vmem>>) target_semaphore(%run_scoped3A : memref<!tpu.dma_semaphore, #tpu.memory_space<semaphore_mem>>)
      %dma_wait3A = arith.constant 0 : i32
      %dma_wait3A_20 = arith.constant 0 : i32
      %dma_wait3A_21 = tpu.memref_slice %arg3[%dma_wait3A, %dma_wait3A_20] : memref<128x128xf32, #tpu.memory_space<hbm>> -> memref<128x128xf32, #tpu.memory_space<hbm>>
      %dma_wait3A_22 = arith.constant 0 : i32
      %dma_wait3A_23 = arith.constant 0 : i32
      %dma_wait3A_24 = tpu.memref_slice %arg3[%dma_wait3A_22, %dma_wait3A_23] : memref<128x128xf32, #tpu.memory_space<hbm>> -> memref<128x128xf32, #tpu.memory_space<hbm>>
      tpu.wait_dma2 semaphore(%run_scoped3A : memref<!tpu.dma_semaphore, #tpu.memory_space<semaphore_mem>>) src(%dma_wait3A_24 : memref<128x128xf32, #tpu.memory_space<hbm>>) dst(%arg7 : memref<128x128xf32, #tpu.memory_space<vmem>>)
      tpu.yield
    }) : () -> ()
    %mul3A_1 = arith.constant 640 : i32
    %mul3A_2 = arith.muli %arg1, %mul3A_1 : i32
    %mul3A_3 = arith.constant 640 : i32
    %mul3A_4 = arith.muli %arg1, %mul3A_3 : i32
    "tpu.region"() ({
      %run_scoped3A = tpu.sem_alloc : memref<!tpu.dma_semaphore, #tpu.memory_space<semaphore_mem>>
      %dma_start3A = arith.constant 0 : i32
      %dma_start3A_15 = tpu.memref_slice %arg8[%mul3A_4, %dma_start3A] : memref<10240x128xf32, #tpu.memory_space<vmem_shared>> -> memref<640x128xf32, #tpu.memory_space<vmem_shared>>
      %dma_start3A_16 = arith.constant 0 : i32
      %dma_start3A_17 = tpu.memref_slice %arg4[%mul3A_2, %dma_start3A_16] : memref<10240x128xf32, #tpu.memory_space<hbm>> -> memref<640x128xf32, #tpu.memory_space<hbm>>
      tpu.enqueue_dma source(%dma_start3A_17 : memref<640x128xf32, #tpu.memory_space<hbm>>) target(%dma_start3A_15 : memref<640x128xf32, #tpu.memory_space<vmem_shared>>) target_semaphore(%run_scoped3A : memref<!tpu.dma_semaphore, #tpu.memory_space<semaphore_mem>>)
      %dma_wait3A = arith.constant 0 : i32
      %dma_wait3A_18 = tpu.memref_slice %arg8[%mul3A_4, %dma_wait3A] : memref<10240x128xf32, #tpu.memory_space<vmem_shared>> -> memref<640x128xf32, #tpu.memory_space<vmem_shared>>
      %dma_wait3A_19 = arith.constant 0 : i32
      %dma_wait3A_20 = tpu.memref_slice %arg4[%mul3A_2, %dma_wait3A_19] : memref<10240x128xf32, #tpu.memory_space<hbm>> -> memref<640x128xf32, #tpu.memory_space<hbm>>
      tpu.wait_dma2 semaphore(%run_scoped3A : memref<!tpu.dma_semaphore, #tpu.memory_space<semaphore_mem>>) src(%dma_wait3A_20 : memref<640x128xf32, #tpu.memory_space<hbm>>) dst(%dma_wait3A_18 : memref<640x128xf32, #tpu.memory_space<vmem_shared>>)
      tpu.yield
    }) : () -> ()
    %barrier3A = arith.constant 0 : index
    tpu.barrier barrier_id(%barrier3A)
    %scan3A = arith.constant 0 : i32
    %scan3A_5 = arith.constant 0 : i32
    %scan3A_6 = arith.constant 79 : i32
    %scan3A_7 = arith.addi %scan3A_5, %scan3A_6 : i32
    %scan3A_8 = arith.constant 1 : i32
    scf.for %scan3A_15 = %scan3A_5 to %scan3A_7 step %scan3A_8  : i32 {
      "tpu.region"() ({
        %run_scoped3A = tpu.sem_alloc : memref<!tpu.dma_semaphore, #tpu.memory_space<semaphore_mem>>
        %dma_start3A = arith.constant 0 : i32
        %dma_start3A_16 = tpu.memref_slice %arg6[%scan3A_15, %dma_start3A] : memref<79x128xi32, #tpu.memory_space<vmem>> -> memref<1x128xi32, #tpu.memory_space<vmem>>
        %dma_start3A_17 = tpu.memref_squeeze %dma_start3A_16 : memref<1x128xi32, #tpu.memory_space<vmem>> -> memref<128xi32, #tpu.memory_space<vmem>>
        %dma_start3A_18 = arith.constant 0 : i32
        %dma_start3A_19 = arith.constant 0 : i32
        %dma_start3A_20 = tpu.memref_slice %arg8[%dma_start3A_18, %dma_start3A_19] : memref<10240x128xf32, #tpu.memory_space<vmem_shared>> -> memref<10240x128xf32, #tpu.memory_space<vmem_shared>>
        tpu.enqueue_indirect_dma source(%arg7 : memref<128x128xf32, #tpu.memory_space<vmem>>) target(%dma_start3A_20 : memref<10240x128xf32, #tpu.memory_space<vmem_shared>>) offsets(%dma_start3A_17 : memref<128xi32, #tpu.memory_space<vmem>>) semaphore(%run_scoped3A : memref<!tpu.dma_semaphore, #tpu.memory_space<semaphore_mem>>) {add = true}
        %dma_wait3A = arith.constant 0 : i32
        %dma_wait3A_21 = tpu.memref_slice %arg6[%scan3A_15, %dma_wait3A] : memref<79x128xi32, #tpu.memory_space<vmem>> -> memref<1x128xi32, #tpu.memory_space<vmem>>
        %dma_wait3A_22 = tpu.memref_squeeze %dma_wait3A_21 : memref<1x128xi32, #tpu.memory_space<vmem>> -> memref<128xi32, #tpu.memory_space<vmem>>
        %dma_wait3A_23 = arith.constant 0 : i32
        %dma_wait3A_24 = arith.constant 0 : i32
        %dma_wait3A_25 = tpu.memref_slice %arg8[%dma_wait3A_23, %dma_wait3A_24] : memref<10240x128xf32, #tpu.memory_space<vmem_shared>> -> memref<10240x128xf32, #tpu.memory_space<vmem_shared>>
        tpu.wait_indirect_dma semaphore(%run_scoped3A : memref<!tpu.dma_semaphore, #tpu.memory_space<semaphore_mem>>) src(%arg7 : memref<128x128xf32, #tpu.memory_space<vmem>>) dst(%dma_wait3A_25 : memref<10240x128xf32, #tpu.memory_space<vmem_shared>>)
        tpu.yield
      }) : () -> ()
    }
    %scan3A_9 = arith.constant 79 : i32
    %barrier3A_10 = arith.constant 0 : index
    tpu.barrier barrier_id(%barrier3A_10)
    %mul3A_11 = arith.constant 640 : i32
    %mul3A_12 = arith.muli %arg1, %mul3A_11 : i32
    %mul3A_13 = arith.constant 640 : i32
    %mul3A_14 = arith.muli %arg1, %mul3A_13 : i32
    "tpu.region"() ({
      %run_scoped3A = tpu.sem_alloc : memref<!tpu.dma_semaphore, #tpu.memory_space<semaphore_mem>>
      %dma_start3A = arith.constant 0 : i32
      %dma_start3A_15 = tpu.memref_slice %arg5[%arg0, %mul3A_14, %dma_start3A] : memref<2x10240x128xf32, #tpu.memory_space<hbm>> -> memref<1x640x128xf32, #tpu.memory_space<hbm>>
      %dma_start3A_16 = tpu.memref_squeeze %dma_start3A_15 : memref<1x640x128xf32, #tpu.memory_space<hbm>> -> memref<640x128xf32, #tpu.memory_space<hbm>>
      %dma_start3A_17 = arith.constant 0 : i32
      %dma_start3A_18 = tpu.memref_slice %arg8[%mul3A_12, %dma_start3A_17] : memref<10240x128xf32, #tpu.memory_space<vmem_shared>> -> memref<640x128xf32, #tpu.memory_space<vmem_shared>>
      tpu.enqueue_dma source(%dma_start3A_18 : memref<640x128xf32, #tpu.memory_space<vmem_shared>>) target(%dma_start3A_16 : memref<640x128xf32, #tpu.memory_space<hbm>>) target_semaphore(%run_scoped3A : memref<!tpu.dma_semaphore, #tpu.memory_space<semaphore_mem>>)
      %dma_wait3A = arith.constant 0 : i32
      %dma_wait3A_19 = tpu.memref_slice %arg5[%arg0, %mul3A_14, %dma_wait3A] : memref<2x10240x128xf32, #tpu.memory_space<hbm>> -> memref<1x640x128xf32, #tpu.memory_space<hbm>>
      %dma_wait3A_20 = tpu.memref_squeeze %dma_wait3A_19 : memref<1x640x128xf32, #tpu.memory_space<hbm>> -> memref<640x128xf32, #tpu.memory_space<hbm>>
      %dma_wait3A_21 = arith.constant 0 : i32
      %dma_wait3A_22 = tpu.memref_slice %arg8[%mul3A_12, %dma_wait3A_21] : memref<10240x128xf32, #tpu.memory_space<vmem_shared>> -> memref<640x128xf32, #tpu.memory_space<vmem_shared>>
      tpu.wait_dma2 semaphore(%run_scoped3A : memref<!tpu.dma_semaphore, #tpu.memory_space<semaphore_mem>>) src(%dma_wait3A_22 : memref<640x128xf32, #tpu.memory_space<vmem_shared>>) dst(%dma_wait3A_20 : memref<640x128xf32, #tpu.memory_space<hbm>>)
      tpu.yield
    }) : () -> ()
    return
  }
}

#map = affine_map<(d0, d1) -> (0, 0)>
#map1 = affine_map<(d0, d1) -> (0, 0, 0)>
module attributes {stable_mosaic.version = 14 : i64} {
  func.func @_edge_body(%arg0: i32, %arg1: i32, %arg2: memref<10000x128xf32, #tpu.memory_space<hbm>>, %arg3: memref<32x79x128xi32, #tpu.memory_space<hbm>>, %arg4: memref<32x79x128xi32, #tpu.memory_space<hbm>>, %arg5: memref<10240x128xf32, #tpu.memory_space<hbm>>, %arg6: memref<2x10240x128xf32, #tpu.memory_space<hbm>>, %arg7: memref<79x128xi32, #tpu.memory_space<vmem>>, %arg8: memref<79x128xi32, #tpu.memory_space<vmem>>, %arg9: memref<128x128xf32, #tpu.memory_space<vmem>>, %arg10: memref<10240x128xf32, #tpu.memory_space<vmem_shared>>, %arg11: memref<!tpu.dma_semaphore, #tpu.memory_space<semaphore_mem>>) attributes {dimension_semantics = [#tpu.dimension_semantics<core_parallel>, #tpu.dimension_semantics<subcore_parallel>], iteration_bounds = array<i64: 2, 16>, scalar_prefetch = 0 : i64, scratch_operands = 5 : i64, tpu.core_type = #tpu.core_type<sc_vector_subcore>, window_params = [{transform_indices = #map}, {transform_indices = #map1}, {transform_indices = #map1}, {transform_indices = #map}, {transform_indices = #map1}]} {
    %mul3A = arith.constant 2 : i32
    %mul3A_0 = arith.muli %arg1, %mul3A : i32
    %add3A = arith.addi %mul3A_0, %arg0 : i32
    "tpu.region"() ({
      %run_scoped3A = tpu.sem_alloc : memref<!tpu.dma_semaphore, #tpu.memory_space<semaphore_mem>>
      %dma_start3A = arith.constant 0 : i32
      %dma_start3A_15 = arith.constant 0 : i32
      %dma_start3A_16 = tpu.memref_slice %arg3[%add3A, %dma_start3A, %dma_start3A_15] : memref<32x79x128xi32, #tpu.memory_space<hbm>> -> memref<1x79x128xi32, #tpu.memory_space<hbm>>
      %dma_start3A_17 = tpu.memref_squeeze %dma_start3A_16 : memref<1x79x128xi32, #tpu.memory_space<hbm>> -> memref<79x128xi32, #tpu.memory_space<hbm>>
      %dma_start3A_18 = arith.constant 0 : i32
      %dma_start3A_19 = arith.constant 0 : i32
      %dma_start3A_20 = tpu.memref_slice %arg3[%add3A, %dma_start3A_18, %dma_start3A_19] : memref<32x79x128xi32, #tpu.memory_space<hbm>> -> memref<1x79x128xi32, #tpu.memory_space<hbm>>
      %dma_start3A_21 = tpu.memref_squeeze %dma_start3A_20 : memref<1x79x128xi32, #tpu.memory_space<hbm>> -> memref<79x128xi32, #tpu.memory_space<hbm>>
      tpu.enqueue_dma source(%dma_start3A_21 : memref<79x128xi32, #tpu.memory_space<hbm>>) target(%arg7 : memref<79x128xi32, #tpu.memory_space<vmem>>) target_semaphore(%run_scoped3A : memref<!tpu.dma_semaphore, #tpu.memory_space<semaphore_mem>>)
      %dma_wait3A = arith.constant 0 : i32
      %dma_wait3A_22 = arith.constant 0 : i32
      %dma_wait3A_23 = tpu.memref_slice %arg3[%add3A, %dma_wait3A, %dma_wait3A_22] : memref<32x79x128xi32, #tpu.memory_space<hbm>> -> memref<1x79x128xi32, #tpu.memory_space<hbm>>
      %dma_wait3A_24 = tpu.memref_squeeze %dma_wait3A_23 : memref<1x79x128xi32, #tpu.memory_space<hbm>> -> memref<79x128xi32, #tpu.memory_space<hbm>>
      %dma_wait3A_25 = arith.constant 0 : i32
      %dma_wait3A_26 = arith.constant 0 : i32
      %dma_wait3A_27 = tpu.memref_slice %arg3[%add3A, %dma_wait3A_25, %dma_wait3A_26] : memref<32x79x128xi32, #tpu.memory_space<hbm>> -> memref<1x79x128xi32, #tpu.memory_space<hbm>>
      %dma_wait3A_28 = tpu.memref_squeeze %dma_wait3A_27 : memref<1x79x128xi32, #tpu.memory_space<hbm>> -> memref<79x128xi32, #tpu.memory_space<hbm>>
      tpu.wait_dma2 semaphore(%run_scoped3A : memref<!tpu.dma_semaphore, #tpu.memory_space<semaphore_mem>>) src(%dma_wait3A_28 : memref<79x128xi32, #tpu.memory_space<hbm>>) dst(%arg7 : memref<79x128xi32, #tpu.memory_space<vmem>>)
      tpu.yield
    }) : () -> ()
    "tpu.region"() ({
      %run_scoped3A = tpu.sem_alloc : memref<!tpu.dma_semaphore, #tpu.memory_space<semaphore_mem>>
      %dma_start3A = arith.constant 0 : i32
      %dma_start3A_15 = arith.constant 0 : i32
      %dma_start3A_16 = tpu.memref_slice %arg4[%add3A, %dma_start3A, %dma_start3A_15] : memref<32x79x128xi32, #tpu.memory_space<hbm>> -> memref<1x79x128xi32, #tpu.memory_space<hbm>>
      %dma_start3A_17 = tpu.memref_squeeze %dma_start3A_16 : memref<1x79x128xi32, #tpu.memory_space<hbm>> -> memref<79x128xi32, #tpu.memory_space<hbm>>
      %dma_start3A_18 = arith.constant 0 : i32
      %dma_start3A_19 = arith.constant 0 : i32
      %dma_start3A_20 = tpu.memref_slice %arg4[%add3A, %dma_start3A_18, %dma_start3A_19] : memref<32x79x128xi32, #tpu.memory_space<hbm>> -> memref<1x79x128xi32, #tpu.memory_space<hbm>>
      %dma_start3A_21 = tpu.memref_squeeze %dma_start3A_20 : memref<1x79x128xi32, #tpu.memory_space<hbm>> -> memref<79x128xi32, #tpu.memory_space<hbm>>
      tpu.enqueue_dma source(%dma_start3A_21 : memref<79x128xi32, #tpu.memory_space<hbm>>) target(%arg8 : memref<79x128xi32, #tpu.memory_space<vmem>>) target_semaphore(%run_scoped3A : memref<!tpu.dma_semaphore, #tpu.memory_space<semaphore_mem>>)
      %dma_wait3A = arith.constant 0 : i32
      %dma_wait3A_22 = arith.constant 0 : i32
      %dma_wait3A_23 = tpu.memref_slice %arg4[%add3A, %dma_wait3A, %dma_wait3A_22] : memref<32x79x128xi32, #tpu.memory_space<hbm>> -> memref<1x79x128xi32, #tpu.memory_space<hbm>>
      %dma_wait3A_24 = tpu.memref_squeeze %dma_wait3A_23 : memref<1x79x128xi32, #tpu.memory_space<hbm>> -> memref<79x128xi32, #tpu.memory_space<hbm>>
      %dma_wait3A_25 = arith.constant 0 : i32
      %dma_wait3A_26 = arith.constant 0 : i32
      %dma_wait3A_27 = tpu.memref_slice %arg4[%add3A, %dma_wait3A_25, %dma_wait3A_26] : memref<32x79x128xi32, #tpu.memory_space<hbm>> -> memref<1x79x128xi32, #tpu.memory_space<hbm>>
      %dma_wait3A_28 = tpu.memref_squeeze %dma_wait3A_27 : memref<1x79x128xi32, #tpu.memory_space<hbm>> -> memref<79x128xi32, #tpu.memory_space<hbm>>
      tpu.wait_dma2 semaphore(%run_scoped3A : memref<!tpu.dma_semaphore, #tpu.memory_space<semaphore_mem>>) src(%dma_wait3A_28 : memref<79x128xi32, #tpu.memory_space<hbm>>) dst(%arg8 : memref<79x128xi32, #tpu.memory_space<vmem>>)
      tpu.yield
    }) : () -> ()
    %mul3A_1 = arith.constant 640 : i32
    %mul3A_2 = arith.muli %arg1, %mul3A_1 : i32
    %mul3A_3 = arith.constant 640 : i32
    %mul3A_4 = arith.muli %arg1, %mul3A_3 : i32
    "tpu.region"() ({
      %run_scoped3A = tpu.sem_alloc : memref<!tpu.dma_semaphore, #tpu.memory_space<semaphore_mem>>
      %dma_start3A = arith.constant 0 : i32
      %dma_start3A_15 = tpu.memref_slice %arg10[%mul3A_4, %dma_start3A] : memref<10240x128xf32, #tpu.memory_space<vmem_shared>> -> memref<640x128xf32, #tpu.memory_space<vmem_shared>>
      %dma_start3A_16 = arith.constant 0 : i32
      %dma_start3A_17 = tpu.memref_slice %arg5[%mul3A_2, %dma_start3A_16] : memref<10240x128xf32, #tpu.memory_space<hbm>> -> memref<640x128xf32, #tpu.memory_space<hbm>>
      tpu.enqueue_dma source(%dma_start3A_17 : memref<640x128xf32, #tpu.memory_space<hbm>>) target(%dma_start3A_15 : memref<640x128xf32, #tpu.memory_space<vmem_shared>>) target_semaphore(%run_scoped3A : memref<!tpu.dma_semaphore, #tpu.memory_space<semaphore_mem>>)
      %dma_wait3A = arith.constant 0 : i32
      %dma_wait3A_18 = tpu.memref_slice %arg10[%mul3A_4, %dma_wait3A] : memref<10240x128xf32, #tpu.memory_space<vmem_shared>> -> memref<640x128xf32, #tpu.memory_space<vmem_shared>>
      %dma_wait3A_19 = arith.constant 0 : i32
      %dma_wait3A_20 = tpu.memref_slice %arg5[%mul3A_2, %dma_wait3A_19] : memref<10240x128xf32, #tpu.memory_space<hbm>> -> memref<640x128xf32, #tpu.memory_space<hbm>>
      tpu.wait_dma2 semaphore(%run_scoped3A : memref<!tpu.dma_semaphore, #tpu.memory_space<semaphore_mem>>) src(%dma_wait3A_20 : memref<640x128xf32, #tpu.memory_space<hbm>>) dst(%dma_wait3A_18 : memref<640x128xf32, #tpu.memory_space<vmem_shared>>)
      tpu.yield
    }) : () -> ()
    %barrier3A = arith.constant 0 : index
    tpu.barrier barrier_id(%barrier3A)
    %scan3A = arith.constant 0 : i32
    %scan3A_5 = arith.constant 0 : i32
    %scan3A_6 = arith.constant 79 : i32
    %scan3A_7 = arith.addi %scan3A_5, %scan3A_6 : i32
    %scan3A_8 = arith.constant 1 : i32
    scf.for %scan3A_15 = %scan3A_5 to %scan3A_7 step %scan3A_8  : i32 {
      %dma_start3A = arith.constant 0 : i32
      %dma_start3A_16 = tpu.memref_slice %arg7[%scan3A_15, %dma_start3A] : memref<79x128xi32, #tpu.memory_space<vmem>> -> memref<1x128xi32, #tpu.memory_space<vmem>>
      %dma_start3A_17 = tpu.memref_squeeze %dma_start3A_16 : memref<1x128xi32, #tpu.memory_space<vmem>> -> memref<128xi32, #tpu.memory_space<vmem>>
      %dma_start3A_18 = arith.constant 0 : i32
      %dma_start3A_19 = arith.constant 0 : i32
      %dma_start3A_20 = tpu.memref_slice %arg2[%dma_start3A_18, %dma_start3A_19] : memref<10000x128xf32, #tpu.memory_space<hbm>> -> memref<10000x128xf32, #tpu.memory_space<hbm>>
      tpu.enqueue_indirect_dma source(%dma_start3A_20 : memref<10000x128xf32, #tpu.memory_space<hbm>>) target(%arg9 : memref<128x128xf32, #tpu.memory_space<vmem>>) offsets(%dma_start3A_17 : memref<128xi32, #tpu.memory_space<vmem>>) semaphore(%arg11 : memref<!tpu.dma_semaphore, #tpu.memory_space<semaphore_mem>>)
      %dma_wait3A = arith.constant 0 : i32
      %dma_wait3A_21 = tpu.memref_slice %arg7[%scan3A_15, %dma_wait3A] : memref<79x128xi32, #tpu.memory_space<vmem>> -> memref<1x128xi32, #tpu.memory_space<vmem>>
      %dma_wait3A_22 = tpu.memref_squeeze %dma_wait3A_21 : memref<1x128xi32, #tpu.memory_space<vmem>> -> memref<128xi32, #tpu.memory_space<vmem>>
      %dma_wait3A_23 = arith.constant 0 : i32
      %dma_wait3A_24 = arith.constant 0 : i32
      %dma_wait3A_25 = tpu.memref_slice %arg2[%dma_wait3A_23, %dma_wait3A_24] : memref<10000x128xf32, #tpu.memory_space<hbm>> -> memref<10000x128xf32, #tpu.memory_space<hbm>>
      tpu.wait_indirect_dma semaphore(%arg11 : memref<!tpu.dma_semaphore, #tpu.memory_space<semaphore_mem>>) src(%dma_wait3A_25 : memref<10000x128xf32, #tpu.memory_space<hbm>>) dst(%arg9 : memref<128x128xf32, #tpu.memory_space<vmem>>)
      "tpu.region"() ({
        %run_scoped3A = tpu.sem_alloc : memref<!tpu.dma_semaphore, #tpu.memory_space<semaphore_mem>>
        %dma_start3A_26 = arith.constant 0 : i32
        %dma_start3A_27 = tpu.memref_slice %arg8[%scan3A_15, %dma_start3A_26] : memref<79x128xi32, #tpu.memory_space<vmem>> -> memref<1x128xi32, #tpu.memory_space<vmem>>
        %dma_start3A_28 = tpu.memref_squeeze %dma_start3A_27 : memref<1x128xi32, #tpu.memory_space<vmem>> -> memref<128xi32, #tpu.memory_space<vmem>>
        %dma_start3A_29 = arith.constant 0 : i32
        %dma_start3A_30 = arith.constant 0 : i32
        %dma_start3A_31 = tpu.memref_slice %arg10[%dma_start3A_29, %dma_start3A_30] : memref<10240x128xf32, #tpu.memory_space<vmem_shared>> -> memref<10240x128xf32, #tpu.memory_space<vmem_shared>>
        tpu.enqueue_indirect_dma source(%arg9 : memref<128x128xf32, #tpu.memory_space<vmem>>) target(%dma_start3A_31 : memref<10240x128xf32, #tpu.memory_space<vmem_shared>>) offsets(%dma_start3A_28 : memref<128xi32, #tpu.memory_space<vmem>>) semaphore(%run_scoped3A : memref<!tpu.dma_semaphore, #tpu.memory_space<semaphore_mem>>) {add = true}
        %dma_wait3A_32 = arith.constant 0 : i32
        %dma_wait3A_33 = tpu.memref_slice %arg8[%scan3A_15, %dma_wait3A_32] : memref<79x128xi32, #tpu.memory_space<vmem>> -> memref<1x128xi32, #tpu.memory_space<vmem>>
        %dma_wait3A_34 = tpu.memref_squeeze %dma_wait3A_33 : memref<1x128xi32, #tpu.memory_space<vmem>> -> memref<128xi32, #tpu.memory_space<vmem>>
        %dma_wait3A_35 = arith.constant 0 : i32
        %dma_wait3A_36 = arith.constant 0 : i32
        %dma_wait3A_37 = tpu.memref_slice %arg10[%dma_wait3A_35, %dma_wait3A_36] : memref<10240x128xf32, #tpu.memory_space<vmem_shared>> -> memref<10240x128xf32, #tpu.memory_space<vmem_shared>>
        tpu.wait_indirect_dma semaphore(%run_scoped3A : memref<!tpu.dma_semaphore, #tpu.memory_space<semaphore_mem>>) src(%arg9 : memref<128x128xf32, #tpu.memory_space<vmem>>) dst(%dma_wait3A_37 : memref<10240x128xf32, #tpu.memory_space<vmem_shared>>)
        tpu.yield
      }) : () -> ()
    }
    %scan3A_9 = arith.constant 79 : i32
    %barrier3A_10 = arith.constant 0 : index
    tpu.barrier barrier_id(%barrier3A_10)
    %mul3A_11 = arith.constant 640 : i32
    %mul3A_12 = arith.muli %arg1, %mul3A_11 : i32
    %mul3A_13 = arith.constant 640 : i32
    %mul3A_14 = arith.muli %arg1, %mul3A_13 : i32
    "tpu.region"() ({
      %run_scoped3A = tpu.sem_alloc : memref<!tpu.dma_semaphore, #tpu.memory_space<semaphore_mem>>
      %dma_start3A = arith.constant 0 : i32
      %dma_start3A_15 = tpu.memref_slice %arg6[%arg0, %mul3A_14, %dma_start3A] : memref<2x10240x128xf32, #tpu.memory_space<hbm>> -> memref<1x640x128xf32, #tpu.memory_space<hbm>>
      %dma_start3A_16 = tpu.memref_squeeze %dma_start3A_15 : memref<1x640x128xf32, #tpu.memory_space<hbm>> -> memref<640x128xf32, #tpu.memory_space<hbm>>
      %dma_start3A_17 = arith.constant 0 : i32
      %dma_start3A_18 = tpu.memref_slice %arg10[%mul3A_12, %dma_start3A_17] : memref<10240x128xf32, #tpu.memory_space<vmem_shared>> -> memref<640x128xf32, #tpu.memory_space<vmem_shared>>
      tpu.enqueue_dma source(%dma_start3A_18 : memref<640x128xf32, #tpu.memory_space<vmem_shared>>) target(%dma_start3A_16 : memref<640x128xf32, #tpu.memory_space<hbm>>) target_semaphore(%run_scoped3A : memref<!tpu.dma_semaphore, #tpu.memory_space<semaphore_mem>>)
      %dma_wait3A = arith.constant 0 : i32
      %dma_wait3A_19 = tpu.memref_slice %arg6[%arg0, %mul3A_14, %dma_wait3A] : memref<2x10240x128xf32, #tpu.memory_space<hbm>> -> memref<1x640x128xf32, #tpu.memory_space<hbm>>
      %dma_wait3A_20 = tpu.memref_squeeze %dma_wait3A_19 : memref<1x640x128xf32, #tpu.memory_space<hbm>> -> memref<640x128xf32, #tpu.memory_space<hbm>>
      %dma_wait3A_21 = arith.constant 0 : i32
      %dma_wait3A_22 = tpu.memref_slice %arg10[%mul3A_12, %dma_wait3A_21] : memref<10240x128xf32, #tpu.memory_space<vmem_shared>> -> memref<640x128xf32, #tpu.memory_space<vmem_shared>>
      tpu.wait_dma2 semaphore(%run_scoped3A : memref<!tpu.dma_semaphore, #tpu.memory_space<semaphore_mem>>) src(%dma_wait3A_22 : memref<640x128xf32, #tpu.memory_space<vmem_shared>>) dst(%dma_wait3A_20 : memref<640x128xf32, #tpu.memory_space<hbm>>)
      tpu.yield
    }) : () -> ()
    return
  }
}

#map = affine_map<(d0, d1) -> (0, 0)>
#map1 = affine_map<(d0, d1) -> (0, 0, 0)>
module attributes {stable_mosaic.version = 14 : i64} {
  func.func @_edge_body(%arg0: i32, %arg1: i32, %arg2: memref<10000x128xf32, #tpu.memory_space<hbm>>, %arg3: memref<32x79x128xi32, #tpu.memory_space<hbm>>, %arg4: memref<32x79x128xi32, #tpu.memory_space<hbm>>, %arg5: memref<10240x128xf32, #tpu.memory_space<hbm>>, %arg6: memref<2x10240x128xf32, #tpu.memory_space<hbm>>, %arg7: memref<79x128xi32, #tpu.memory_space<vmem>>, %arg8: memref<79x128xi32, #tpu.memory_space<vmem>>, %arg9: memref<128x128xf32, #tpu.memory_space<vmem>>, %arg10: memref<10240x128xf32, #tpu.memory_space<vmem_shared>>, %arg11: memref<!tpu.dma_semaphore, #tpu.memory_space<semaphore_mem>>) attributes {dimension_semantics = [#tpu.dimension_semantics<core_parallel>, #tpu.dimension_semantics<subcore_parallel>], iteration_bounds = array<i64: 2, 16>, scalar_prefetch = 0 : i64, scratch_operands = 5 : i64, tpu.core_type = #tpu.core_type<sc_vector_subcore>, window_params = [{transform_indices = #map}, {transform_indices = #map1}, {transform_indices = #map1}, {transform_indices = #map}, {transform_indices = #map1}]} {
    %mul3A = arith.constant 2 : i32
    %mul3A_0 = arith.muli %arg1, %mul3A : i32
    %add3A = arith.addi %mul3A_0, %arg0 : i32
    "tpu.region"() ({
      %run_scoped3A = tpu.sem_alloc : memref<!tpu.dma_semaphore, #tpu.memory_space<semaphore_mem>>
      %dma_start3A = arith.constant 0 : i32
      %dma_start3A_15 = arith.constant 0 : i32
      %dma_start3A_16 = tpu.memref_slice %arg3[%add3A, %dma_start3A, %dma_start3A_15] : memref<32x79x128xi32, #tpu.memory_space<hbm>> -> memref<1x79x128xi32, #tpu.memory_space<hbm>>
      %dma_start3A_17 = tpu.memref_squeeze %dma_start3A_16 : memref<1x79x128xi32, #tpu.memory_space<hbm>> -> memref<79x128xi32, #tpu.memory_space<hbm>>
      %dma_start3A_18 = arith.constant 0 : i32
      %dma_start3A_19 = arith.constant 0 : i32
      %dma_start3A_20 = tpu.memref_slice %arg3[%add3A, %dma_start3A_18, %dma_start3A_19] : memref<32x79x128xi32, #tpu.memory_space<hbm>> -> memref<1x79x128xi32, #tpu.memory_space<hbm>>
      %dma_start3A_21 = tpu.memref_squeeze %dma_start3A_20 : memref<1x79x128xi32, #tpu.memory_space<hbm>> -> memref<79x128xi32, #tpu.memory_space<hbm>>
      tpu.enqueue_dma source(%dma_start3A_21 : memref<79x128xi32, #tpu.memory_space<hbm>>) target(%arg7 : memref<79x128xi32, #tpu.memory_space<vmem>>) target_semaphore(%run_scoped3A : memref<!tpu.dma_semaphore, #tpu.memory_space<semaphore_mem>>)
      %dma_wait3A = arith.constant 0 : i32
      %dma_wait3A_22 = arith.constant 0 : i32
      %dma_wait3A_23 = tpu.memref_slice %arg3[%add3A, %dma_wait3A, %dma_wait3A_22] : memref<32x79x128xi32, #tpu.memory_space<hbm>> -> memref<1x79x128xi32, #tpu.memory_space<hbm>>
      %dma_wait3A_24 = tpu.memref_squeeze %dma_wait3A_23 : memref<1x79x128xi32, #tpu.memory_space<hbm>> -> memref<79x128xi32, #tpu.memory_space<hbm>>
      %dma_wait3A_25 = arith.constant 0 : i32
      %dma_wait3A_26 = arith.constant 0 : i32
      %dma_wait3A_27 = tpu.memref_slice %arg3[%add3A, %dma_wait3A_25, %dma_wait3A_26] : memref<32x79x128xi32, #tpu.memory_space<hbm>> -> memref<1x79x128xi32, #tpu.memory_space<hbm>>
      %dma_wait3A_28 = tpu.memref_squeeze %dma_wait3A_27 : memref<1x79x128xi32, #tpu.memory_space<hbm>> -> memref<79x128xi32, #tpu.memory_space<hbm>>
      tpu.wait_dma2 semaphore(%run_scoped3A : memref<!tpu.dma_semaphore, #tpu.memory_space<semaphore_mem>>) src(%dma_wait3A_28 : memref<79x128xi32, #tpu.memory_space<hbm>>) dst(%arg7 : memref<79x128xi32, #tpu.memory_space<vmem>>)
      tpu.yield
    }) : () -> ()
    "tpu.region"() ({
      %run_scoped3A = tpu.sem_alloc : memref<!tpu.dma_semaphore, #tpu.memory_space<semaphore_mem>>
      %dma_start3A = arith.constant 0 : i32
      %dma_start3A_15 = arith.constant 0 : i32
      %dma_start3A_16 = tpu.memref_slice %arg4[%add3A, %dma_start3A, %dma_start3A_15] : memref<32x79x128xi32, #tpu.memory_space<hbm>> -> memref<1x79x128xi32, #tpu.memory_space<hbm>>
      %dma_start3A_17 = tpu.memref_squeeze %dma_start3A_16 : memref<1x79x128xi32, #tpu.memory_space<hbm>> -> memref<79x128xi32, #tpu.memory_space<hbm>>
      %dma_start3A_18 = arith.constant 0 : i32
      %dma_start3A_19 = arith.constant 0 : i32
      %dma_start3A_20 = tpu.memref_slice %arg4[%add3A, %dma_start3A_18, %dma_start3A_19] : memref<32x79x128xi32, #tpu.memory_space<hbm>> -> memref<1x79x128xi32, #tpu.memory_space<hbm>>
      %dma_start3A_21 = tpu.memref_squeeze %dma_start3A_20 : memref<1x79x128xi32, #tpu.memory_space<hbm>> -> memref<79x128xi32, #tpu.memory_space<hbm>>
      tpu.enqueue_dma source(%dma_start3A_21 : memref<79x128xi32, #tpu.memory_space<hbm>>) target(%arg8 : memref<79x128xi32, #tpu.memory_space<vmem>>) target_semaphore(%run_scoped3A : memref<!tpu.dma_semaphore, #tpu.memory_space<semaphore_mem>>)
      %dma_wait3A = arith.constant 0 : i32
      %dma_wait3A_22 = arith.constant 0 : i32
      %dma_wait3A_23 = tpu.memref_slice %arg4[%add3A, %dma_wait3A, %dma_wait3A_22] : memref<32x79x128xi32, #tpu.memory_space<hbm>> -> memref<1x79x128xi32, #tpu.memory_space<hbm>>
      %dma_wait3A_24 = tpu.memref_squeeze %dma_wait3A_23 : memref<1x79x128xi32, #tpu.memory_space<hbm>> -> memref<79x128xi32, #tpu.memory_space<hbm>>
      %dma_wait3A_25 = arith.constant 0 : i32
      %dma_wait3A_26 = arith.constant 0 : i32
      %dma_wait3A_27 = tpu.memref_slice %arg4[%add3A, %dma_wait3A_25, %dma_wait3A_26] : memref<32x79x128xi32, #tpu.memory_space<hbm>> -> memref<1x79x128xi32, #tpu.memory_space<hbm>>
      %dma_wait3A_28 = tpu.memref_squeeze %dma_wait3A_27 : memref<1x79x128xi32, #tpu.memory_space<hbm>> -> memref<79x128xi32, #tpu.memory_space<hbm>>
      tpu.wait_dma2 semaphore(%run_scoped3A : memref<!tpu.dma_semaphore, #tpu.memory_space<semaphore_mem>>) src(%dma_wait3A_28 : memref<79x128xi32, #tpu.memory_space<hbm>>) dst(%arg8 : memref<79x128xi32, #tpu.memory_space<vmem>>)
      tpu.yield
    }) : () -> ()
    %mul3A_1 = arith.constant 640 : i32
    %mul3A_2 = arith.muli %arg1, %mul3A_1 : i32
    %mul3A_3 = arith.constant 640 : i32
    %mul3A_4 = arith.muli %arg1, %mul3A_3 : i32
    "tpu.region"() ({
      %run_scoped3A = tpu.sem_alloc : memref<!tpu.dma_semaphore, #tpu.memory_space<semaphore_mem>>
      %dma_start3A = arith.constant 0 : i32
      %dma_start3A_15 = tpu.memref_slice %arg10[%mul3A_4, %dma_start3A] : memref<10240x128xf32, #tpu.memory_space<vmem_shared>> -> memref<640x128xf32, #tpu.memory_space<vmem_shared>>
      %dma_start3A_16 = arith.constant 0 : i32
      %dma_start3A_17 = tpu.memref_slice %arg5[%mul3A_2, %dma_start3A_16] : memref<10240x128xf32, #tpu.memory_space<hbm>> -> memref<640x128xf32, #tpu.memory_space<hbm>>
      tpu.enqueue_dma source(%dma_start3A_17 : memref<640x128xf32, #tpu.memory_space<hbm>>) target(%dma_start3A_15 : memref<640x128xf32, #tpu.memory_space<vmem_shared>>) target_semaphore(%run_scoped3A : memref<!tpu.dma_semaphore, #tpu.memory_space<semaphore_mem>>)
      %dma_wait3A = arith.constant 0 : i32
      %dma_wait3A_18 = tpu.memref_slice %arg10[%mul3A_4, %dma_wait3A] : memref<10240x128xf32, #tpu.memory_space<vmem_shared>> -> memref<640x128xf32, #tpu.memory_space<vmem_shared>>
      %dma_wait3A_19 = arith.constant 0 : i32
      %dma_wait3A_20 = tpu.memref_slice %arg5[%mul3A_2, %dma_wait3A_19] : memref<10240x128xf32, #tpu.memory_space<hbm>> -> memref<640x128xf32, #tpu.memory_space<hbm>>
      tpu.wait_dma2 semaphore(%run_scoped3A : memref<!tpu.dma_semaphore, #tpu.memory_space<semaphore_mem>>) src(%dma_wait3A_20 : memref<640x128xf32, #tpu.memory_space<hbm>>) dst(%dma_wait3A_18 : memref<640x128xf32, #tpu.memory_space<vmem_shared>>)
      tpu.yield
    }) : () -> ()
    %barrier3A = arith.constant 0 : index
    tpu.barrier barrier_id(%barrier3A)
    %scan3A = arith.constant 0 : i32
    %scan3A_5 = arith.constant 0 : i32
    %scan3A_6 = arith.constant 79 : i32
    %scan3A_7 = arith.addi %scan3A_5, %scan3A_6 : i32
    %scan3A_8 = arith.constant 1 : i32
    scf.for %scan3A_15 = %scan3A_5 to %scan3A_7 step %scan3A_8  : i32 {
      %dma_start3A = arith.constant 0 : i32
      %dma_start3A_16 = tpu.memref_slice %arg7[%scan3A_15, %dma_start3A] : memref<79x128xi32, #tpu.memory_space<vmem>> -> memref<1x128xi32, #tpu.memory_space<vmem>>
      %dma_start3A_17 = tpu.memref_squeeze %dma_start3A_16 : memref<1x128xi32, #tpu.memory_space<vmem>> -> memref<128xi32, #tpu.memory_space<vmem>>
      %dma_start3A_18 = arith.constant 0 : i32
      %dma_start3A_19 = arith.constant 0 : i32
      %dma_start3A_20 = tpu.memref_slice %arg2[%dma_start3A_18, %dma_start3A_19] : memref<10000x128xf32, #tpu.memory_space<hbm>> -> memref<10000x128xf32, #tpu.memory_space<hbm>>
      tpu.enqueue_indirect_dma source(%dma_start3A_20 : memref<10000x128xf32, #tpu.memory_space<hbm>>) target(%arg9 : memref<128x128xf32, #tpu.memory_space<vmem>>) offsets(%dma_start3A_17 : memref<128xi32, #tpu.memory_space<vmem>>) semaphore(%arg11 : memref<!tpu.dma_semaphore, #tpu.memory_space<semaphore_mem>>)
      %dma_wait3A = arith.constant 0 : i32
      %dma_wait3A_21 = tpu.memref_slice %arg7[%scan3A_15, %dma_wait3A] : memref<79x128xi32, #tpu.memory_space<vmem>> -> memref<1x128xi32, #tpu.memory_space<vmem>>
      %dma_wait3A_22 = tpu.memref_squeeze %dma_wait3A_21 : memref<1x128xi32, #tpu.memory_space<vmem>> -> memref<128xi32, #tpu.memory_space<vmem>>
      %dma_wait3A_23 = arith.constant 0 : i32
      %dma_wait3A_24 = arith.constant 0 : i32
      %dma_wait3A_25 = tpu.memref_slice %arg2[%dma_wait3A_23, %dma_wait3A_24] : memref<10000x128xf32, #tpu.memory_space<hbm>> -> memref<10000x128xf32, #tpu.memory_space<hbm>>
      tpu.wait_indirect_dma semaphore(%arg11 : memref<!tpu.dma_semaphore, #tpu.memory_space<semaphore_mem>>) src(%dma_wait3A_25 : memref<10000x128xf32, #tpu.memory_space<hbm>>) dst(%arg9 : memref<128x128xf32, #tpu.memory_space<vmem>>)
      "tpu.region"() ({
        %run_scoped3A = tpu.sem_alloc : memref<!tpu.dma_semaphore, #tpu.memory_space<semaphore_mem>>
        %dma_start3A_26 = arith.constant 0 : i32
        %dma_start3A_27 = tpu.memref_slice %arg8[%scan3A_15, %dma_start3A_26] : memref<79x128xi32, #tpu.memory_space<vmem>> -> memref<1x128xi32, #tpu.memory_space<vmem>>
        %dma_start3A_28 = tpu.memref_squeeze %dma_start3A_27 : memref<1x128xi32, #tpu.memory_space<vmem>> -> memref<128xi32, #tpu.memory_space<vmem>>
        %dma_start3A_29 = arith.constant 0 : i32
        %dma_start3A_30 = arith.constant 0 : i32
        %dma_start3A_31 = tpu.memref_slice %arg10[%dma_start3A_29, %dma_start3A_30] : memref<10240x128xf32, #tpu.memory_space<vmem_shared>> -> memref<10240x128xf32, #tpu.memory_space<vmem_shared>>
        tpu.enqueue_indirect_dma source(%arg9 : memref<128x128xf32, #tpu.memory_space<vmem>>) target(%dma_start3A_31 : memref<10240x128xf32, #tpu.memory_space<vmem_shared>>) offsets(%dma_start3A_28 : memref<128xi32, #tpu.memory_space<vmem>>) semaphore(%run_scoped3A : memref<!tpu.dma_semaphore, #tpu.memory_space<semaphore_mem>>) {add = true}
        %dma_wait3A_32 = arith.constant 0 : i32
        %dma_wait3A_33 = tpu.memref_slice %arg8[%scan3A_15, %dma_wait3A_32] : memref<79x128xi32, #tpu.memory_space<vmem>> -> memref<1x128xi32, #tpu.memory_space<vmem>>
        %dma_wait3A_34 = tpu.memref_squeeze %dma_wait3A_33 : memref<1x128xi32, #tpu.memory_space<vmem>> -> memref<128xi32, #tpu.memory_space<vmem>>
        %dma_wait3A_35 = arith.constant 0 : i32
        %dma_wait3A_36 = arith.constant 0 : i32
        %dma_wait3A_37 = tpu.memref_slice %arg10[%dma_wait3A_35, %dma_wait3A_36] : memref<10240x128xf32, #tpu.memory_space<vmem_shared>> -> memref<10240x128xf32, #tpu.memory_space<vmem_shared>>
        tpu.wait_indirect_dma semaphore(%run_scoped3A : memref<!tpu.dma_semaphore, #tpu.memory_space<semaphore_mem>>) src(%arg9 : memref<128x128xf32, #tpu.memory_space<vmem>>) dst(%dma_wait3A_37 : memref<10240x128xf32, #tpu.memory_space<vmem_shared>>)
        tpu.yield
      }) : () -> ()
    }
    %scan3A_9 = arith.constant 79 : i32
    %barrier3A_10 = arith.constant 0 : index
    tpu.barrier barrier_id(%barrier3A_10)
    %mul3A_11 = arith.constant 640 : i32
    %mul3A_12 = arith.muli %arg1, %mul3A_11 : i32
    %mul3A_13 = arith.constant 640 : i32
    %mul3A_14 = arith.muli %arg1, %mul3A_13 : i32
    "tpu.region"() ({
      %run_scoped3A = tpu.sem_alloc : memref<!tpu.dma_semaphore, #tpu.memory_space<semaphore_mem>>
      %dma_start3A = arith.constant 0 : i32
      %dma_start3A_15 = tpu.memref_slice %arg6[%arg0, %mul3A_14, %dma_start3A] : memref<2x10240x128xf32, #tpu.memory_space<hbm>> -> memref<1x640x128xf32, #tpu.memory_space<hbm>>
      %dma_start3A_16 = tpu.memref_squeeze %dma_start3A_15 : memref<1x640x128xf32, #tpu.memory_space<hbm>> -> memref<640x128xf32, #tpu.memory_space<hbm>>
      %dma_start3A_17 = arith.constant 0 : i32
      %dma_start3A_18 = tpu.memref_slice %arg10[%mul3A_12, %dma_start3A_17] : memref<10240x128xf32, #tpu.memory_space<vmem_shared>> -> memref<640x128xf32, #tpu.memory_space<vmem_shared>>
      tpu.enqueue_dma source(%dma_start3A_18 : memref<640x128xf32, #tpu.memory_space<vmem_shared>>) target(%dma_start3A_16 : memref<640x128xf32, #tpu.memory_space<hbm>>) target_semaphore(%run_scoped3A : memref<!tpu.dma_semaphore, #tpu.memory_space<semaphore_mem>>)
      %dma_wait3A = arith.constant 0 : i32
      %dma_wait3A_19 = tpu.memref_slice %arg6[%arg0, %mul3A_14, %dma_wait3A] : memref<2x10240x128xf32, #tpu.memory_space<hbm>> -> memref<1x640x128xf32, #tpu.memory_space<hbm>>
      %dma_wait3A_20 = tpu.memref_squeeze %dma_wait3A_19 : memref<1x640x128xf32, #tpu.memory_space<hbm>> -> memref<640x128xf32, #tpu.memory_space<hbm>>
      %dma_wait3A_21 = arith.constant 0 : i32
      %dma_wait3A_22 = tpu.memref_slice %arg10[%mul3A_12, %dma_wait3A_21] : memref<10240x128xf32, #tpu.memory_space<vmem_shared>> -> memref<640x128xf32, #tpu.memory_space<vmem_shared>>
      tpu.wait_dma2 semaphore(%run_scoped3A : memref<!tpu.dma_semaphore, #tpu.memory_space<semaphore_mem>>) src(%dma_wait3A_22 : memref<640x128xf32, #tpu.memory_space<vmem_shared>>) dst(%dma_wait3A_20 : memref<640x128xf32, #tpu.memory_space<hbm>>)
      tpu.yield
    }) : () -> ()
    return
  }
}

#map = affine_map<(d0, d1) -> (0, 0)>
#map1 = affine_map<(d0, d1) -> (0, 0, 0)>
module attributes {stable_mosaic.version = 14 : i64} {
  func.func @_edge_body(%arg0: i32, %arg1: i32, %arg2: memref<10000x128xf32, #tpu.memory_space<hbm>>, %arg3: memref<32x79x128xi32, #tpu.memory_space<hbm>>, %arg4: memref<32x79x128xi32, #tpu.memory_space<hbm>>, %arg5: memref<10240x128xf32, #tpu.memory_space<hbm>>, %arg6: memref<2x10240x128xf32, #tpu.memory_space<hbm>>, %arg7: memref<79x128xi32, #tpu.memory_space<vmem>>, %arg8: memref<79x128xi32, #tpu.memory_space<vmem>>, %arg9: memref<128x128xf32, #tpu.memory_space<vmem>>, %arg10: memref<10240x128xf32, #tpu.memory_space<vmem_shared>>, %arg11: memref<!tpu.dma_semaphore, #tpu.memory_space<semaphore_mem>>) attributes {dimension_semantics = [#tpu.dimension_semantics<core_parallel>, #tpu.dimension_semantics<subcore_parallel>], iteration_bounds = array<i64: 2, 16>, scalar_prefetch = 0 : i64, scratch_operands = 5 : i64, tpu.core_type = #tpu.core_type<sc_vector_subcore>, window_params = [{transform_indices = #map}, {transform_indices = #map1}, {transform_indices = #map1}, {transform_indices = #map}, {transform_indices = #map1}]} {
    %mul3A = arith.constant 2 : i32
    %mul3A_0 = arith.muli %arg1, %mul3A : i32
    %add3A = arith.addi %mul3A_0, %arg0 : i32
    "tpu.region"() ({
      %run_scoped3A = tpu.sem_alloc : memref<!tpu.dma_semaphore, #tpu.memory_space<semaphore_mem>>
      %dma_start3A = arith.constant 0 : i32
      %dma_start3A_15 = arith.constant 0 : i32
      %dma_start3A_16 = tpu.memref_slice %arg3[%add3A, %dma_start3A, %dma_start3A_15] : memref<32x79x128xi32, #tpu.memory_space<hbm>> -> memref<1x79x128xi32, #tpu.memory_space<hbm>>
      %dma_start3A_17 = tpu.memref_squeeze %dma_start3A_16 : memref<1x79x128xi32, #tpu.memory_space<hbm>> -> memref<79x128xi32, #tpu.memory_space<hbm>>
      %dma_start3A_18 = arith.constant 0 : i32
      %dma_start3A_19 = arith.constant 0 : i32
      %dma_start3A_20 = tpu.memref_slice %arg3[%add3A, %dma_start3A_18, %dma_start3A_19] : memref<32x79x128xi32, #tpu.memory_space<hbm>> -> memref<1x79x128xi32, #tpu.memory_space<hbm>>
      %dma_start3A_21 = tpu.memref_squeeze %dma_start3A_20 : memref<1x79x128xi32, #tpu.memory_space<hbm>> -> memref<79x128xi32, #tpu.memory_space<hbm>>
      tpu.enqueue_dma source(%dma_start3A_21 : memref<79x128xi32, #tpu.memory_space<hbm>>) target(%arg7 : memref<79x128xi32, #tpu.memory_space<vmem>>) target_semaphore(%run_scoped3A : memref<!tpu.dma_semaphore, #tpu.memory_space<semaphore_mem>>)
      %dma_wait3A = arith.constant 0 : i32
      %dma_wait3A_22 = arith.constant 0 : i32
      %dma_wait3A_23 = tpu.memref_slice %arg3[%add3A, %dma_wait3A, %dma_wait3A_22] : memref<32x79x128xi32, #tpu.memory_space<hbm>> -> memref<1x79x128xi32, #tpu.memory_space<hbm>>
      %dma_wait3A_24 = tpu.memref_squeeze %dma_wait3A_23 : memref<1x79x128xi32, #tpu.memory_space<hbm>> -> memref<79x128xi32, #tpu.memory_space<hbm>>
      %dma_wait3A_25 = arith.constant 0 : i32
      %dma_wait3A_26 = arith.constant 0 : i32
      %dma_wait3A_27 = tpu.memref_slice %arg3[%add3A, %dma_wait3A_25, %dma_wait3A_26] : memref<32x79x128xi32, #tpu.memory_space<hbm>> -> memref<1x79x128xi32, #tpu.memory_space<hbm>>
      %dma_wait3A_28 = tpu.memref_squeeze %dma_wait3A_27 : memref<1x79x128xi32, #tpu.memory_space<hbm>> -> memref<79x128xi32, #tpu.memory_space<hbm>>
      tpu.wait_dma2 semaphore(%run_scoped3A : memref<!tpu.dma_semaphore, #tpu.memory_space<semaphore_mem>>) src(%dma_wait3A_28 : memref<79x128xi32, #tpu.memory_space<hbm>>) dst(%arg7 : memref<79x128xi32, #tpu.memory_space<vmem>>)
      tpu.yield
    }) : () -> ()
    "tpu.region"() ({
      %run_scoped3A = tpu.sem_alloc : memref<!tpu.dma_semaphore, #tpu.memory_space<semaphore_mem>>
      %dma_start3A = arith.constant 0 : i32
      %dma_start3A_15 = arith.constant 0 : i32
      %dma_start3A_16 = tpu.memref_slice %arg4[%add3A, %dma_start3A, %dma_start3A_15] : memref<32x79x128xi32, #tpu.memory_space<hbm>> -> memref<1x79x128xi32, #tpu.memory_space<hbm>>
      %dma_start3A_17 = tpu.memref_squeeze %dma_start3A_16 : memref<1x79x128xi32, #tpu.memory_space<hbm>> -> memref<79x128xi32, #tpu.memory_space<hbm>>
      %dma_start3A_18 = arith.constant 0 : i32
      %dma_start3A_19 = arith.constant 0 : i32
      %dma_start3A_20 = tpu.memref_slice %arg4[%add3A, %dma_start3A_18, %dma_start3A_19] : memref<32x79x128xi32, #tpu.memory_space<hbm>> -> memref<1x79x128xi32, #tpu.memory_space<hbm>>
      %dma_start3A_21 = tpu.memref_squeeze %dma_start3A_20 : memref<1x79x128xi32, #tpu.memory_space<hbm>> -> memref<79x128xi32, #tpu.memory_space<hbm>>
      tpu.enqueue_dma source(%dma_start3A_21 : memref<79x128xi32, #tpu.memory_space<hbm>>) target(%arg8 : memref<79x128xi32, #tpu.memory_space<vmem>>) target_semaphore(%run_scoped3A : memref<!tpu.dma_semaphore, #tpu.memory_space<semaphore_mem>>)
      %dma_wait3A = arith.constant 0 : i32
      %dma_wait3A_22 = arith.constant 0 : i32
      %dma_wait3A_23 = tpu.memref_slice %arg4[%add3A, %dma_wait3A, %dma_wait3A_22] : memref<32x79x128xi32, #tpu.memory_space<hbm>> -> memref<1x79x128xi32, #tpu.memory_space<hbm>>
      %dma_wait3A_24 = tpu.memref_squeeze %dma_wait3A_23 : memref<1x79x128xi32, #tpu.memory_space<hbm>> -> memref<79x128xi32, #tpu.memory_space<hbm>>
      %dma_wait3A_25 = arith.constant 0 : i32
      %dma_wait3A_26 = arith.constant 0 : i32
      %dma_wait3A_27 = tpu.memref_slice %arg4[%add3A, %dma_wait3A_25, %dma_wait3A_26] : memref<32x79x128xi32, #tpu.memory_space<hbm>> -> memref<1x79x128xi32, #tpu.memory_space<hbm>>
      %dma_wait3A_28 = tpu.memref_squeeze %dma_wait3A_27 : memref<1x79x128xi32, #tpu.memory_space<hbm>> -> memref<79x128xi32, #tpu.memory_space<hbm>>
      tpu.wait_dma2 semaphore(%run_scoped3A : memref<!tpu.dma_semaphore, #tpu.memory_space<semaphore_mem>>) src(%dma_wait3A_28 : memref<79x128xi32, #tpu.memory_space<hbm>>) dst(%arg8 : memref<79x128xi32, #tpu.memory_space<vmem>>)
      tpu.yield
    }) : () -> ()
    %mul3A_1 = arith.constant 640 : i32
    %mul3A_2 = arith.muli %arg1, %mul3A_1 : i32
    %mul3A_3 = arith.constant 640 : i32
    %mul3A_4 = arith.muli %arg1, %mul3A_3 : i32
    "tpu.region"() ({
      %run_scoped3A = tpu.sem_alloc : memref<!tpu.dma_semaphore, #tpu.memory_space<semaphore_mem>>
      %dma_start3A = arith.constant 0 : i32
      %dma_start3A_15 = tpu.memref_slice %arg10[%mul3A_4, %dma_start3A] : memref<10240x128xf32, #tpu.memory_space<vmem_shared>> -> memref<640x128xf32, #tpu.memory_space<vmem_shared>>
      %dma_start3A_16 = arith.constant 0 : i32
      %dma_start3A_17 = tpu.memref_slice %arg5[%mul3A_2, %dma_start3A_16] : memref<10240x128xf32, #tpu.memory_space<hbm>> -> memref<640x128xf32, #tpu.memory_space<hbm>>
      tpu.enqueue_dma source(%dma_start3A_17 : memref<640x128xf32, #tpu.memory_space<hbm>>) target(%dma_start3A_15 : memref<640x128xf32, #tpu.memory_space<vmem_shared>>) target_semaphore(%run_scoped3A : memref<!tpu.dma_semaphore, #tpu.memory_space<semaphore_mem>>)
      %dma_wait3A = arith.constant 0 : i32
      %dma_wait3A_18 = tpu.memref_slice %arg10[%mul3A_4, %dma_wait3A] : memref<10240x128xf32, #tpu.memory_space<vmem_shared>> -> memref<640x128xf32, #tpu.memory_space<vmem_shared>>
      %dma_wait3A_19 = arith.constant 0 : i32
      %dma_wait3A_20 = tpu.memref_slice %arg5[%mul3A_2, %dma_wait3A_19] : memref<10240x128xf32, #tpu.memory_space<hbm>> -> memref<640x128xf32, #tpu.memory_space<hbm>>
      tpu.wait_dma2 semaphore(%run_scoped3A : memref<!tpu.dma_semaphore, #tpu.memory_space<semaphore_mem>>) src(%dma_wait3A_20 : memref<640x128xf32, #tpu.memory_space<hbm>>) dst(%dma_wait3A_18 : memref<640x128xf32, #tpu.memory_space<vmem_shared>>)
      tpu.yield
    }) : () -> ()
    %barrier3A = arith.constant 0 : index
    tpu.barrier barrier_id(%barrier3A)
    %scan3A = arith.constant 0 : i32
    %scan3A_5 = arith.constant 0 : i32
    %scan3A_6 = arith.constant 79 : i32
    %scan3A_7 = arith.addi %scan3A_5, %scan3A_6 : i32
    %scan3A_8 = arith.constant 1 : i32
    scf.for %scan3A_15 = %scan3A_5 to %scan3A_7 step %scan3A_8  : i32 {
      %dma_start3A = arith.constant 0 : i32
      %dma_start3A_16 = tpu.memref_slice %arg7[%scan3A_15, %dma_start3A] : memref<79x128xi32, #tpu.memory_space<vmem>> -> memref<1x128xi32, #tpu.memory_space<vmem>>
      %dma_start3A_17 = tpu.memref_squeeze %dma_start3A_16 : memref<1x128xi32, #tpu.memory_space<vmem>> -> memref<128xi32, #tpu.memory_space<vmem>>
      %dma_start3A_18 = arith.constant 0 : i32
      %dma_start3A_19 = arith.constant 0 : i32
      %dma_start3A_20 = tpu.memref_slice %arg2[%dma_start3A_18, %dma_start3A_19] : memref<10000x128xf32, #tpu.memory_space<hbm>> -> memref<10000x128xf32, #tpu.memory_space<hbm>>
      tpu.enqueue_indirect_dma source(%dma_start3A_20 : memref<10000x128xf32, #tpu.memory_space<hbm>>) target(%arg9 : memref<128x128xf32, #tpu.memory_space<vmem>>) offsets(%dma_start3A_17 : memref<128xi32, #tpu.memory_space<vmem>>) semaphore(%arg11 : memref<!tpu.dma_semaphore, #tpu.memory_space<semaphore_mem>>)
      %dma_wait3A = arith.constant 0 : i32
      %dma_wait3A_21 = tpu.memref_slice %arg7[%scan3A_15, %dma_wait3A] : memref<79x128xi32, #tpu.memory_space<vmem>> -> memref<1x128xi32, #tpu.memory_space<vmem>>
      %dma_wait3A_22 = tpu.memref_squeeze %dma_wait3A_21 : memref<1x128xi32, #tpu.memory_space<vmem>> -> memref<128xi32, #tpu.memory_space<vmem>>
      %dma_wait3A_23 = arith.constant 0 : i32
      %dma_wait3A_24 = arith.constant 0 : i32
      %dma_wait3A_25 = tpu.memref_slice %arg2[%dma_wait3A_23, %dma_wait3A_24] : memref<10000x128xf32, #tpu.memory_space<hbm>> -> memref<10000x128xf32, #tpu.memory_space<hbm>>
      tpu.wait_indirect_dma semaphore(%arg11 : memref<!tpu.dma_semaphore, #tpu.memory_space<semaphore_mem>>) src(%dma_wait3A_25 : memref<10000x128xf32, #tpu.memory_space<hbm>>) dst(%arg9 : memref<128x128xf32, #tpu.memory_space<vmem>>)
      "tpu.region"() ({
        %run_scoped3A = tpu.sem_alloc : memref<!tpu.dma_semaphore, #tpu.memory_space<semaphore_mem>>
        %dma_start3A_26 = arith.constant 0 : i32
        %dma_start3A_27 = tpu.memref_slice %arg8[%scan3A_15, %dma_start3A_26] : memref<79x128xi32, #tpu.memory_space<vmem>> -> memref<1x128xi32, #tpu.memory_space<vmem>>
        %dma_start3A_28 = tpu.memref_squeeze %dma_start3A_27 : memref<1x128xi32, #tpu.memory_space<vmem>> -> memref<128xi32, #tpu.memory_space<vmem>>
        %dma_start3A_29 = arith.constant 0 : i32
        %dma_start3A_30 = arith.constant 0 : i32
        %dma_start3A_31 = tpu.memref_slice %arg10[%dma_start3A_29, %dma_start3A_30] : memref<10240x128xf32, #tpu.memory_space<vmem_shared>> -> memref<10240x128xf32, #tpu.memory_space<vmem_shared>>
        tpu.enqueue_indirect_dma source(%arg9 : memref<128x128xf32, #tpu.memory_space<vmem>>) target(%dma_start3A_31 : memref<10240x128xf32, #tpu.memory_space<vmem_shared>>) offsets(%dma_start3A_28 : memref<128xi32, #tpu.memory_space<vmem>>) semaphore(%run_scoped3A : memref<!tpu.dma_semaphore, #tpu.memory_space<semaphore_mem>>) {add = true}
        %dma_wait3A_32 = arith.constant 0 : i32
        %dma_wait3A_33 = tpu.memref_slice %arg8[%scan3A_15, %dma_wait3A_32] : memref<79x128xi32, #tpu.memory_space<vmem>> -> memref<1x128xi32, #tpu.memory_space<vmem>>
        %dma_wait3A_34 = tpu.memref_squeeze %dma_wait3A_33 : memref<1x128xi32, #tpu.memory_space<vmem>> -> memref<128xi32, #tpu.memory_space<vmem>>
        %dma_wait3A_35 = arith.constant 0 : i32
        %dma_wait3A_36 = arith.constant 0 : i32
        %dma_wait3A_37 = tpu.memref_slice %arg10[%dma_wait3A_35, %dma_wait3A_36] : memref<10240x128xf32, #tpu.memory_space<vmem_shared>> -> memref<10240x128xf32, #tpu.memory_space<vmem_shared>>
        tpu.wait_indirect_dma semaphore(%run_scoped3A : memref<!tpu.dma_semaphore, #tpu.memory_space<semaphore_mem>>) src(%arg9 : memref<128x128xf32, #tpu.memory_space<vmem>>) dst(%dma_wait3A_37 : memref<10240x128xf32, #tpu.memory_space<vmem_shared>>)
        tpu.yield
      }) : () -> ()
    }
    %scan3A_9 = arith.constant 79 : i32
    %barrier3A_10 = arith.constant 0 : index
    tpu.barrier barrier_id(%barrier3A_10)
    %mul3A_11 = arith.constant 640 : i32
    %mul3A_12 = arith.muli %arg1, %mul3A_11 : i32
    %mul3A_13 = arith.constant 640 : i32
    %mul3A_14 = arith.muli %arg1, %mul3A_13 : i32
    "tpu.region"() ({
      %run_scoped3A = tpu.sem_alloc : memref<!tpu.dma_semaphore, #tpu.memory_space<semaphore_mem>>
      %dma_start3A = arith.constant 0 : i32
      %dma_start3A_15 = tpu.memref_slice %arg6[%arg0, %mul3A_14, %dma_start3A] : memref<2x10240x128xf32, #tpu.memory_space<hbm>> -> memref<1x640x128xf32, #tpu.memory_space<hbm>>
      %dma_start3A_16 = tpu.memref_squeeze %dma_start3A_15 : memref<1x640x128xf32, #tpu.memory_space<hbm>> -> memref<640x128xf32, #tpu.memory_space<hbm>>
      %dma_start3A_17 = arith.constant 0 : i32
      %dma_start3A_18 = tpu.memref_slice %arg10[%mul3A_12, %dma_start3A_17] : memref<10240x128xf32, #tpu.memory_space<vmem_shared>> -> memref<640x128xf32, #tpu.memory_space<vmem_shared>>
      tpu.enqueue_dma source(%dma_start3A_18 : memref<640x128xf32, #tpu.memory_space<vmem_shared>>) target(%dma_start3A_16 : memref<640x128xf32, #tpu.memory_space<hbm>>) target_semaphore(%run_scoped3A : memref<!tpu.dma_semaphore, #tpu.memory_space<semaphore_mem>>)
      %dma_wait3A = arith.constant 0 : i32
      %dma_wait3A_19 = tpu.memref_slice %arg6[%arg0, %mul3A_14, %dma_wait3A] : memref<2x10240x128xf32, #tpu.memory_space<hbm>> -> memref<1x640x128xf32, #tpu.memory_space<hbm>>
      %dma_wait3A_20 = tpu.memref_squeeze %dma_wait3A_19 : memref<1x640x128xf32, #tpu.memory_space<hbm>> -> memref<640x128xf32, #tpu.memory_space<hbm>>
      %dma_wait3A_21 = arith.constant 0 : i32
      %dma_wait3A_22 = tpu.memref_slice %arg10[%mul3A_12, %dma_wait3A_21] : memref<10240x128xf32, #tpu.memory_space<vmem_shared>> -> memref<640x128xf32, #tpu.memory_space<vmem_shared>>
      tpu.wait_dma2 semaphore(%run_scoped3A : memref<!tpu.dma_semaphore, #tpu.memory_space<semaphore_mem>>) src(%dma_wait3A_22 : memref<640x128xf32, #tpu.memory_space<vmem_shared>>) dst(%dma_wait3A_20 : memref<640x128xf32, #tpu.memory_space<hbm>>)
      tpu.yield
    }) : () -> ()
    return
  }
}

module attributes {stable_mosaic.version = 14 : i64} {
  func.func @_mm_body(%arg0: i32, %arg1: memref<1000x128xf32, #tpu.memory_space<vmem>>, %arg2: memref<128x128xf32, #tpu.memory_space<vmem>>, %arg3: memref<1000x128xf32, #tpu.memory_space<vmem>>) attributes {dimension_semantics = [#tpu.dimension_semantics<arbitrary>], iteration_bounds = array<i64: 10>, scalar_prefetch = 0 : i64, scratch_operands = 0 : i64, tpu.core_type = #tpu.core_type<tc>, window_params = [{transform_indices = @transform_0, window_bounds = array<i64: 1000, 128>}, {pipeline_mode = #tpu.pipeline_mode<synchronous>, transform_indices = @transform_1, window_bounds = array<i64: 128, 128>}, {transform_indices = @transform_2, window_bounds = array<i64: 1000, 128>}]} {
    %get3A = arith.constant 0 : index
    %get3A_0 = arith.constant 0 : index
    %get3A_1 = vector.load %arg1[%get3A, %get3A_0] : memref<1000x128xf32, #tpu.memory_space<vmem>>, vector<1000x128xf32>
    %get3A_2 = arith.constant 0 : index
    %get3A_3 = arith.constant 0 : index
    %get3A_4 = vector.load %arg2[%get3A_2, %get3A_3] : memref<128x128xf32, #tpu.memory_space<vmem>>, vector<128x128xf32>
    %dot_general3A = arith.constant dense<0.000000e+00> : vector<1000x128xf32>
    %dot_general3A_5 = tpu.matmul %get3A_1, %get3A_4, %dot_general3A {dimension_numbers = #tpu.dot_dimension_numbers<[1], [0], [0], [1], [0, 0, 1, 1], [], []>, transpose_lhs_hint = false} : vector<1000x128xf32>, vector<128x128xf32>, vector<1000x128xf32> -> vector<1000x128xf32>
    %swap3A = arith.constant 0 : index
    %swap3A_6 = arith.constant 0 : index
    %swap3A_7 = vector.load %arg3[%swap3A, %swap3A_6] : memref<1000x128xf32, #tpu.memory_space<vmem>>, vector<1000x128xf32>
    tpu.vector_store %arg3[%swap3A, %swap3A_6], %dot_general3A_5 {strides = array<i32>} : memref<1000x128xf32, #tpu.memory_space<vmem>>, vector<1000x128xf32>,
    return
  }
  func.func @transform_0(%arg0: i32) -> (i32, i32) {
    %c0_i32 = arith.constant 0 : i32
    %c0_i32_0 = arith.constant 0 : i32
    return %arg0, %c0_i32 : i32, i32
  }
  func.func @transform_1(%arg0: i32) -> (i32, i32) {
    %c0_i32 = arith.constant 0 : i32
    %c0_i32_0 = arith.constant 0 : i32
    %c0_i32_1 = arith.constant 0 : i32
    return %c0_i32, %c0_i32_0 : i32, i32
  }
  func.func @transform_2(%arg0: i32) -> (i32, i32) {
    %c0_i32 = arith.constant 0 : i32
    %c0_i32_0 = arith.constant 0 : i32
    return %arg0, %c0_i32 : i32, i32
  }
}

module attributes {stable_mosaic.version = 14 : i64} {
  func.func @_scale_body(%arg0: i32, %arg1: memref<1000x128xf32, #tpu.memory_space<vmem>>, %arg2: memref<2x1000x128xf32, #tpu.memory_space<vmem>>, %arg3: memref<1000x128xf32, #tpu.memory_space<vmem>>, %arg4: memref<1000x1xf32, #tpu.memory_space<vmem>>) attributes {dimension_semantics = [#tpu.dimension_semantics<arbitrary>], iteration_bounds = array<i64: 10>, scalar_prefetch = 0 : i64, scratch_operands = 0 : i64, tpu.core_type = #tpu.core_type<tc>, window_params = [{transform_indices = @transform_0, window_bounds = array<i64: 1000, 128>}, {transform_indices = @transform_1, window_bounds = array<i64: 2, 1000, 128>}, {transform_indices = @transform_2, window_bounds = array<i64: 1000, 128>}, {transform_indices = @transform_3, window_bounds = array<i64: 1000, 1>}]} {
    %get3A = arith.constant 0 : index
    %get3A_0 = arith.constant 0 : index
    %get3A_1 = arith.constant 0 : index
    %get3A_2 = vector.load %arg2[%get3A, %get3A_0, %get3A_1] : memref<2x1000x128xf32, #tpu.memory_space<vmem>>, vector<1x1000x1xf32>
    %get3A_3 = vector.shape_cast %get3A_2 : vector<1x1000x1xf32> to vector<1000x1xf32>
    %add3A = arith.constant 1.000000e+00 : f32
    %add3A_4 = vector.broadcast %add3A : f32 to vector<1000x1xf32>
    %add3A_5 = arith.addf %add3A_4, %get3A_3 : vector<1000x1xf32>
    %get3A_6 = arith.constant 1 : index
    %get3A_7 = arith.constant 0 : index
    %get3A_8 = arith.constant 0 : index
    %get3A_9 = vector.load %arg2[%get3A_6, %get3A_7, %get3A_8] : memref<2x1000x128xf32, #tpu.memory_space<vmem>>, vector<1x1000x1xf32>
    %get3A_10 = vector.shape_cast %get3A_9 : vector<1x1000x1xf32> to vector<1000x1xf32>
    %add3A_11 = arith.addf %add3A_5, %get3A_10 : vector<1000x1xf32>
    %rsqrt3A = math.rsqrt %add3A_11 : vector<1000x1xf32>
    %swap3A = arith.constant 0 : index
    %swap3A_12 = arith.constant 0 : index
    %swap3A_13 = vector.load %arg4[%swap3A, %swap3A_12] : memref<1000x1xf32, #tpu.memory_space<vmem>>, vector<1000x1xf32>
    tpu.vector_store %arg4[%swap3A, %swap3A_12], %rsqrt3A {strides = array<i32>} : memref<1000x1xf32, #tpu.memory_space<vmem>>, vector<1000x1xf32>,
    %get3A_14 = arith.constant 0 : index
    %get3A_15 = arith.constant 0 : index
    %get3A_16 = vector.load %arg1[%get3A_14, %get3A_15] : memref<1000x128xf32, #tpu.memory_space<vmem>>, vector<1000x128xf32>
    %mul3A = vector.broadcast %rsqrt3A : vector<1000x1xf32> to vector<1000x128xf32>
    %mul3A_17 = arith.mulf %get3A_16, %mul3A : vector<1000x128xf32>
    %swap3A_18 = arith.constant 0 : index
    %swap3A_19 = arith.constant 0 : index
    %swap3A_20 = vector.load %arg3[%swap3A_18, %swap3A_19] : memref<1000x128xf32, #tpu.memory_space<vmem>>, vector<1000x128xf32>
    tpu.vector_store %arg3[%swap3A_18, %swap3A_19], %mul3A_17 {strides = array<i32>} : memref<1000x128xf32, #tpu.memory_space<vmem>>, vector<1000x128xf32>,
    return
  }
  func.func @transform_0(%arg0: i32) -> (i32, i32) {
    %c0_i32 = arith.constant 0 : i32
    %c0_i32_0 = arith.constant 0 : i32
    return %arg0, %c0_i32 : i32, i32
  }
  func.func @transform_1(%arg0: i32) -> (i32, i32, i32) {
    %c0_i32 = arith.constant 0 : i32
    %c0_i32_0 = arith.constant 0 : i32
    %c0_i32_1 = arith.constant 0 : i32
    return %c0_i32, %arg0, %c0_i32_0 : i32, i32, i32
  }
  func.func @transform_2(%arg0: i32) -> (i32, i32) {
    %c0_i32 = arith.constant 0 : i32
    %c0_i32_0 = arith.constant 0 : i32
    return %arg0, %c0_i32 : i32, i32
  }
  func.func @transform_3(%arg0: i32) -> (i32, i32) {
    %c0_i32 = arith.constant 0 : i32
    %c0_i32_0 = arith.constant 0 : i32
    return %arg0, %c0_i32 : i32, i32
  }
}

module attributes {stable_mosaic.version = 14 : i64} {
  func.func @_layer_body(%arg0: i32, %arg1: memref<2x1000x128xf32, #tpu.memory_space<vmem>>, %arg2: memref<1000x128xf32, #tpu.memory_space<vmem>>, %arg3: memref<1000x1xf32, #tpu.memory_space<vmem>>, %arg4: memref<1x128xf32, #tpu.memory_space<vmem>>, %arg5: memref<1x128xf32, #tpu.memory_space<vmem>>, %arg6: memref<128x128xf32, #tpu.memory_space<vmem>>, %arg7: memref<1000x128xf32, #tpu.memory_space<vmem>>) attributes {dimension_semantics = [#tpu.dimension_semantics<arbitrary>], iteration_bounds = array<i64: 10>, scalar_prefetch = 0 : i64, scratch_operands = 0 : i64, tpu.core_type = #tpu.core_type<tc>, window_params = [{transform_indices = @transform_0, window_bounds = array<i64: 2, 1000, 128>}, {transform_indices = @transform_1, window_bounds = array<i64: 1000, 128>}, {transform_indices = @transform_2, window_bounds = array<i64: 1000, 1>}, {pipeline_mode = #tpu.pipeline_mode<synchronous>, transform_indices = @transform_3, window_bounds = array<i64: 1, 128>}, {pipeline_mode = #tpu.pipeline_mode<synchronous>, transform_indices = @transform_4, window_bounds = array<i64: 1, 128>}, {pipeline_mode = #tpu.pipeline_mode<synchronous>, transform_indices = @transform_5, window_bounds = array<i64: 128, 128>}, {transform_indices = @transform_6, window_bounds = array<i64: 1000, 128>}]} {
    %get3A = arith.constant 0 : index
    %get3A_0 = arith.constant 0 : index
    %get3A_1 = vector.load %arg3[%get3A, %get3A_0] : memref<1000x1xf32, #tpu.memory_space<vmem>>, vector<1000x1xf32>
    %get3A_2 = arith.constant 0 : index
    %get3A_3 = arith.constant 0 : index
    %get3A_4 = arith.constant 0 : index
    %get3A_5 = vector.load %arg1[%get3A_2, %get3A_3, %get3A_4] : memref<2x1000x128xf32, #tpu.memory_space<vmem>>, vector<1x1000x128xf32>
    %get3A_6 = vector.shape_cast %get3A_5 : vector<1x1000x128xf32> to vector<1000x128xf32>
    %get3A_7 = arith.constant 1 : index
    %get3A_8 = arith.constant 0 : index
    %get3A_9 = arith.constant 0 : index
    %get3A_10 = vector.load %arg1[%get3A_7, %get3A_8, %get3A_9] : memref<2x1000x128xf32, #tpu.memory_space<vmem>>, vector<1x1000x128xf32>
    %get3A_11 = vector.shape_cast %get3A_10 : vector<1x1000x128xf32> to vector<1000x128xf32>
    %add3A = arith.addf %get3A_6, %get3A_11 : vector<1000x128xf32>
    %get3A_12 = arith.constant 0 : index
    %get3A_13 = arith.constant 0 : index
    %get3A_14 = vector.load %arg2[%get3A_12, %get3A_13] : memref<1000x128xf32, #tpu.memory_space<vmem>>, vector<1000x128xf32>
    %add3A_15 = arith.addf %add3A, %get3A_14 : vector<1000x128xf32>
    %mul3A = vector.broadcast %get3A_1 : vector<1000x1xf32> to vector<1000x128xf32>
    %mul3A_16 = arith.mulf %add3A_15, %mul3A : vector<1000x128xf32>
    %get3A_17 = arith.constant 0 : index
    %get3A_18 = arith.constant 0 : index
    %get3A_19 = vector.load %arg4[%get3A_17, %get3A_18] : memref<1x128xf32, #tpu.memory_space<vmem>>, vector<1x128xf32>
    %mul3A_20 = vector.broadcast %get3A_19 : vector<1x128xf32> to vector<1000x128xf32>
    %mul3A_21 = arith.mulf %mul3A_16, %mul3A_20 : vector<1000x128xf32>
    %get3A_22 = arith.constant 0 : index
    %get3A_23 = arith.constant 0 : index
    %get3A_24 = vector.load %arg5[%get3A_22, %get3A_23] : memref<1x128xf32, #tpu.memory_space<vmem>>, vector<1x128xf32>
    %add3A_25 = vector.broadcast %get3A_24 : vector<1x128xf32> to vector<1000x128xf32>
    %add3A_26 = arith.addf %mul3A_21, %add3A_25 : vector<1000x128xf32>
    %max3A = arith.constant 0.000000e+00 : f32
    %max3A_27 = vector.broadcast %max3A : f32 to vector<1000x128xf32>
    %max3A_28 = arith.maximumf %add3A_26, %max3A_27 : vector<1000x128xf32>
    %get3A_29 = arith.constant 0 : index
    %get3A_30 = arith.constant 0 : index
    %get3A_31 = vector.load %arg6[%get3A_29, %get3A_30] : memref<128x128xf32, #tpu.memory_space<vmem>>, vector<128x128xf32>
    %dot_general3A = arith.constant dense<0.000000e+00> : vector<1000x128xf32>
    %dot_general3A_32 = tpu.matmul %max3A_28, %get3A_31, %dot_general3A {dimension_numbers = #tpu.dot_dimension_numbers<[1], [0], [0], [1], [0, 0, 1, 1], [], []>, transpose_lhs_hint = false} : vector<1000x128xf32>, vector<128x128xf32>, vector<1000x128xf32> -> vector<1000x128xf32>
    %mul3A_33 = vector.broadcast %get3A_1 : vector<1000x1xf32> to vector<1000x128xf32>
    %mul3A_34 = arith.mulf %dot_general3A_32, %mul3A_33 : vector<1000x128xf32>
    %swap3A = arith.constant 0 : index
    %swap3A_35 = arith.constant 0 : index
    %swap3A_36 = vector.load %arg7[%swap3A, %swap3A_35] : memref<1000x128xf32, #tpu.memory_space<vmem>>, vector<1000x128xf32>
    tpu.vector_store %arg7[%swap3A, %swap3A_35], %mul3A_34 {strides = array<i32>} : memref<1000x128xf32, #tpu.memory_space<vmem>>, vector<1000x128xf32>,
    return
  }
  func.func @transform_0(%arg0: i32) -> (i32, i32, i32) {
    %c0_i32 = arith.constant 0 : i32
    %c0_i32_0 = arith.constant 0 : i32
    %c0_i32_1 = arith.constant 0 : i32
    return %c0_i32, %arg0, %c0_i32_0 : i32, i32, i32
  }
  func.func @transform_1(%arg0: i32) -> (i32, i32) {
    %c0_i32 = arith.constant 0 : i32
    %c0_i32_0 = arith.constant 0 : i32
    return %arg0, %c0_i32 : i32, i32
  }
  func.func @transform_2(%arg0: i32) -> (i32, i32) {
    %c0_i32 = arith.constant 0 : i32
    %c0_i32_0 = arith.constant 0 : i32
    return %arg0, %c0_i32 : i32, i32
  }
  func.func @transform_3(%arg0: i32) -> (i32, i32) {
    %c0_i32 = arith.constant 0 : i32
    %c0_i32_0 = arith.constant 0 : i32
    %c0_i32_1 = arith.constant 0 : i32
    return %c0_i32, %c0_i32_0 : i32, i32
  }
  func.func @transform_4(%arg0: i32) -> (i32, i32) {
    %c0_i32 = arith.constant 0 : i32
    %c0_i32_0 = arith.constant 0 : i32
    %c0_i32_1 = arith.constant 0 : i32
    return %c0_i32, %c0_i32_0 : i32, i32
  }
  func.func @transform_5(%arg0: i32) -> (i32, i32) {
    %c0_i32 = arith.constant 0 : i32
    %c0_i32_0 = arith.constant 0 : i32
    %c0_i32_1 = arith.constant 0 : i32
    return %c0_i32, %c0_i32_0 : i32, i32
  }
  func.func @transform_6(%arg0: i32) -> (i32, i32) {
    %c0_i32 = arith.constant 0 : i32
    %c0_i32_0 = arith.constant 0 : i32
    return %arg0, %c0_i32 : i32, i32
  }
}

module attributes {stable_mosaic.version = 14 : i64} {
  func.func @_final_body(%arg0: i32, %arg1: memref<2x1000x128xf32, #tpu.memory_space<vmem>>, %arg2: memref<1000x128xf32, #tpu.memory_space<vmem>>, %arg3: memref<1000x1xf32, #tpu.memory_space<vmem>>, %arg4: memref<1x128xf32, #tpu.memory_space<vmem>>, %arg5: memref<1x128xf32, #tpu.memory_space<vmem>>, %arg6: memref<1000x1xi32, #tpu.memory_space<vmem>>, %arg7: memref<128x128xf32, #tpu.memory_space<vmem>>, %arg8: memref<1x128xf32, #tpu.memory_space<vmem>>, %arg9: memref<128x16xf32, #tpu.memory_space<vmem>>, %arg10: memref<1x16xf32, #tpu.memory_space<vmem>>, %arg11: memref<128x128xf32, #tpu.memory_space<vmem>>, %arg12: memref<1x128xf32, #tpu.memory_space<vmem>>, %arg13: memref<128x1xf32, #tpu.memory_space<vmem>>, %arg14: memref<1x1xf32, #tpu.memory_space<vmem>>, %arg15: memref<64x16xf32, #tpu.memory_space<vmem>>, %arg16: memref<64x1xf32, #tpu.memory_space<vmem>>, %arg17: memref<64x128xf32, #tpu.memory_space<vmem>>) attributes {dimension_semantics = [#tpu.dimension_semantics<arbitrary>], iteration_bounds = array<i64: 10>, scalar_prefetch = 0 : i64, scratch_operands = 1 : i64, tpu.core_type = #tpu.core_type<tc>, window_params = [{transform_indices = @transform_0, window_bounds = array<i64: 2, 1000, 128>}, {transform_indices = @transform_1, window_bounds = array<i64: 1000, 128>}, {transform_indices = @transform_2, window_bounds = array<i64: 1000, 1>}, {pipeline_mode = #tpu.pipeline_mode<synchronous>, transform_indices = @transform_3, window_bounds = array<i64: 1, 128>}, {pipeline_mode = #tpu.pipeline_mode<synchronous>, transform_indices = @transform_4, window_bounds = array<i64: 1, 128>}, {transform_indices = @transform_5, window_bounds = array<i64: 1000, 1>}, {pipeline_mode = #tpu.pipeline_mode<synchronous>, transform_indices = @transform_6, window_bounds = array<i64: 128, 128>}, {pipeline_mode = #tpu.pipeline_mode<synchronous>, transform_indices = @transform_7, window_bounds = array<i64: 1, 128>}, {pipeline_mode = #tpu.pipeline_mode<synchronous>, transform_indices = @transform_8, window_bounds = array<i64: 128, 16>}, {pipeline_mode = #tpu.pipeline_mode<synchronous>, transform_indices = @transform_9, window_bounds = array<i64: 1, 16>}, {pipeline_mode = #tpu.pipeline_mode<synchronous>, transform_indices = @transform_10, window_bounds = array<i64: 128, 128>}, {pipeline_mode = #tpu.pipeline_mode<synchronous>, transform_indices = @transform_11, window_bounds = array<i64: 1, 128>}, {pipeline_mode = #tpu.pipeline_mode<synchronous>, transform_indices = @transform_12, window_bounds = array<i64: 128, 1>}, {pipeline_mode = #tpu.pipeline_mode<synchronous>, transform_indices = @transform_13, window_bounds = array<i64: 1, 1>}, {pipeline_mode = #tpu.pipeline_mode<synchronous>, transform_indices = @transform_14, window_bounds = array<i64: 64, 16>}, {pipeline_mode = #tpu.pipeline_mode<synchronous>, transform_indices = @transform_15, window_bounds = array<i64: 64, 1>}]} {
    %get3A = arith.constant 0 : index
    %get3A_0 = arith.constant 0 : index
    %get3A_1 = arith.constant 0 : index
    %get3A_2 = vector.load %arg1[%get3A, %get3A_0, %get3A_1] : memref<2x1000x128xf32, #tpu.memory_space<vmem>>, vector<1x1000x128xf32>
    %get3A_3 = vector.shape_cast %get3A_2 : vector<1x1000x128xf32> to vector<1000x128xf32>
    %get3A_4 = arith.constant 1 : index
    %get3A_5 = arith.constant 0 : index
    %get3A_6 = arith.constant 0 : index
    %get3A_7 = vector.load %arg1[%get3A_4, %get3A_5, %get3A_6] : memref<2x1000x128xf32, #tpu.memory_space<vmem>>, vector<1x1000x128xf32>
    %get3A_8 = vector.shape_cast %get3A_7 : vector<1x1000x128xf32> to vector<1000x128xf32>
    %add3A = arith.addf %get3A_3, %get3A_8 : vector<1000x128xf32>
    %get3A_9 = arith.constant 0 : index
    %get3A_10 = arith.constant 0 : index
    %get3A_11 = vector.load %arg2[%get3A_9, %get3A_10] : memref<1000x128xf32, #tpu.memory_space<vmem>>, vector<1000x128xf32>
    %add3A_12 = arith.addf %add3A, %get3A_11 : vector<1000x128xf32>
    %get3A_13 = arith.constant 0 : index
    %get3A_14 = arith.constant 0 : index
    %get3A_15 = vector.load %arg3[%get3A_13, %get3A_14] : memref<1000x1xf32, #tpu.memory_space<vmem>>, vector<1000x1xf32>
    %mul3A = vector.broadcast %get3A_15 : vector<1000x1xf32> to vector<1000x128xf32>
    %mul3A_16 = arith.mulf %add3A_12, %mul3A : vector<1000x128xf32>
    %get3A_17 = arith.constant 0 : index
    %get3A_18 = arith.constant 0 : index
    %get3A_19 = vector.load %arg4[%get3A_17, %get3A_18] : memref<1x128xf32, #tpu.memory_space<vmem>>, vector<1x128xf32>
    %mul3A_20 = vector.broadcast %get3A_19 : vector<1x128xf32> to vector<1000x128xf32>
    %mul3A_21 = arith.mulf %mul3A_16, %mul3A_20 : vector<1000x128xf32>
    %get3A_22 = arith.constant 0 : index
    %get3A_23 = arith.constant 0 : index
    %get3A_24 = vector.load %arg5[%get3A_22, %get3A_23] : memref<1x128xf32, #tpu.memory_space<vmem>>, vector<1x128xf32>
    %add3A_25 = vector.broadcast %get3A_24 : vector<1x128xf32> to vector<1000x128xf32>
    %add3A_26 = arith.addf %mul3A_21, %add3A_25 : vector<1000x128xf32>
    %max3A = arith.constant 0.000000e+00 : f32
    %max3A_27 = vector.broadcast %max3A : f32 to vector<1000x128xf32>
    %max3A_28 = arith.maximumf %add3A_26, %max3A_27 : vector<1000x128xf32>
    %get3A_29 = arith.constant 0 : index
    %get3A_30 = arith.constant 0 : index
    %get3A_31 = vector.load %arg6[%get3A_29, %get3A_30] : memref<1000x1xi32, #tpu.memory_space<vmem>>, vector<1000x1xi32>
    %iota3A = tpu.iota {dimensions = array<i32: 1>} : vector<1000x64xi32>
    %eq3A = vector.broadcast %get3A_31 : vector<1000x1xi32> to vector<1000x64xi32>
    %eq3A_32 = arith.cmpi eq, %eq3A, %iota3A : vector<1000x64xi32>
    %convert_element_type3A = arith.extui %eq3A_32 : vector<1000x64xi1> to vector<1000x64xi32>
    %convert_element_type3A_33 = arith.sitofp %convert_element_type3A : vector<1000x64xi32> to vector<1000x64xf32>
    %dot_general3A = arith.constant dense<0.000000e+00> : vector<64x128xf32>
    %dot_general3A_34 = tpu.matmul %convert_element_type3A_33, %max3A_28, %dot_general3A {dimension_numbers = #tpu.dot_dimension_numbers<[0], [0], [1], [1], [0, 1, 1, 1], [], []>, transpose_lhs_hint = false} : vector<1000x64xf32>, vector<1000x128xf32>, vector<64x128xf32> -> vector<64x128xf32>
    %eq3A_35 = arith.constant 0 : i32
    %eq3A_36 = arith.cmpi eq, %arg0, %eq3A_35 : i32
    %convert_element_type3A_37 = arith.extui %eq3A_36 : i1 to i32
    %cond3A = arith.constant 0 : i32
    %cond3A_38 = arith.cmpi ne, %convert_element_type3A_37, %cond3A : i32
    scf.if %cond3A_38 {
      %swap3A = arith.constant 0 : index
      %swap3A_48 = arith.constant 0 : index
      %swap3A_49 = vector.load %arg17[%swap3A, %swap3A_48] : memref<64x128xf32, #tpu.memory_space<vmem>>, vector<64x128xf32>
      tpu.vector_store %arg17[%swap3A, %swap3A_48], %dot_general3A_34 {strides = array<i32>} : memref<64x128xf32, #tpu.memory_space<vmem>>, vector<64x128xf32>,
    } else {
    }
    %gt3A = arith.constant 0 : i32
    %gt3A_39 = arith.cmpi sgt, %arg0, %gt3A : i32
    %convert_element_type3A_40 = arith.extui %gt3A_39 : i1 to i32
    %cond3A_41 = arith.constant 0 : i32
    %cond3A_42 = arith.cmpi ne, %convert_element_type3A_40, %cond3A_41 : i32
    scf.if %cond3A_42 {
      %get3A_48 = arith.constant 0 : index
      %get3A_49 = arith.constant 0 : index
      %get3A_50 = vector.load %arg17[%get3A_48, %get3A_49] : memref<64x128xf32, #tpu.memory_space<vmem>>, vector<64x128xf32>
      %add3A_51 = arith.addf %get3A_50, %dot_general3A_34 : vector<64x128xf32>
      %swap3A = arith.constant 0 : index
      %swap3A_52 = arith.constant 0 : index
      %swap3A_53 = vector.load %arg17[%swap3A, %swap3A_52] : memref<64x128xf32, #tpu.memory_space<vmem>>, vector<64x128xf32>
      tpu.vector_store %arg17[%swap3A, %swap3A_52], %add3A_51 {strides = array<i32>} : memref<64x128xf32, #tpu.memory_space<vmem>>, vector<64x128xf32>,
    } else {
    }
    %eq3A_43 = arith.constant 9 : i32
    %eq3A_44 = arith.cmpi eq, %arg0, %eq3A_43 : i32
    %convert_element_type3A_45 = arith.extui %eq3A_44 : i1 to i32
    %cond3A_46 = arith.constant 0 : i32
    %cond3A_47 = arith.cmpi ne, %convert_element_type3A_45, %cond3A_46 : i32
    scf.if %cond3A_47 {
      %get3A_48 = arith.constant 0 : index
      %get3A_49 = arith.constant 0 : index
      %get3A_50 = vector.load %arg17[%get3A_48, %get3A_49] : memref<64x128xf32, #tpu.memory_space<vmem>>, vector<64x128xf32>
      %get3A_51 = arith.constant 0 : index
      %get3A_52 = arith.constant 0 : index
      %get3A_53 = vector.load %arg7[%get3A_51, %get3A_52] : memref<128x128xf32, #tpu.memory_space<vmem>>, vector<128x128xf32>
      %dot_general3A_54 = arith.constant dense<0.000000e+00> : vector<64x128xf32>
      %dot_general3A_55 = tpu.matmul %get3A_50, %get3A_53, %dot_general3A_54 {dimension_numbers = #tpu.dot_dimension_numbers<[1], [0], [0], [1], [0, 0, 1, 1], [], []>, transpose_lhs_hint = false} : vector<64x128xf32>, vector<128x128xf32>, vector<64x128xf32> -> vector<64x128xf32>
      %get3A_56 = arith.constant 0 : index
      %get3A_57 = arith.constant 0 : index
      %get3A_58 = vector.load %arg8[%get3A_56, %get3A_57] : memref<1x128xf32, #tpu.memory_space<vmem>>, vector<1x128xf32>
      %add3A_59 = vector.broadcast %get3A_58 : vector<1x128xf32> to vector<64x128xf32>
      %add3A_60 = arith.addf %dot_general3A_55, %add3A_59 : vector<64x128xf32>
      %max3A_61 = arith.constant 0.000000e+00 : f32
      %max3A_62 = vector.broadcast %max3A_61 : f32 to vector<64x128xf32>
      %max3A_63 = arith.maximumf %add3A_60, %max3A_62 : vector<64x128xf32>
      %get3A_64 = arith.constant 0 : index
      %get3A_65 = arith.constant 0 : index
      %get3A_66 = vector.load %arg9[%get3A_64, %get3A_65] : memref<128x16xf32, #tpu.memory_space<vmem>>, vector<128x16xf32>
      %dot_general3A_67 = arith.constant dense<0.000000e+00> : vector<64x16xf32>
      %dot_general3A_68 = tpu.matmul %max3A_63, %get3A_66, %dot_general3A_67 {dimension_numbers = #tpu.dot_dimension_numbers<[1], [0], [0], [1], [0, 0, 1, 1], [], []>, transpose_lhs_hint = false} : vector<64x128xf32>, vector<128x16xf32>, vector<64x16xf32> -> vector<64x16xf32>
      %get3A_69 = arith.constant 0 : index
      %get3A_70 = arith.constant 0 : index
      %get3A_71 = vector.load %arg10[%get3A_69, %get3A_70] : memref<1x16xf32, #tpu.memory_space<vmem>>, vector<1x16xf32>
      %add3A_72 = vector.broadcast %get3A_71 : vector<1x16xf32> to vector<64x16xf32>
      %add3A_73 = arith.addf %dot_general3A_68, %add3A_72 : vector<64x16xf32>
      %swap3A = arith.constant 0 : index
      %swap3A_74 = arith.constant 0 : index
      %swap3A_75 = vector.load %arg15[%swap3A, %swap3A_74] : memref<64x16xf32, #tpu.memory_space<vmem>>, vector<64x16xf32>
      tpu.vector_store %arg15[%swap3A, %swap3A_74], %add3A_73 {strides = array<i32>} : memref<64x16xf32, #tpu.memory_space<vmem>>, vector<64x16xf32>,
      %get3A_76 = arith.constant 0 : index
      %get3A_77 = arith.constant 0 : index
      %get3A_78 = vector.load %arg11[%get3A_76, %get3A_77] : memref<128x128xf32, #tpu.memory_space<vmem>>, vector<128x128xf32>
      %dot_general3A_79 = arith.constant dense<0.000000e+00> : vector<64x128xf32>
      %dot_general3A_80 = tpu.matmul %get3A_50, %get3A_78, %dot_general3A_79 {dimension_numbers = #tpu.dot_dimension_numbers<[1], [0], [0], [1], [0, 0, 1, 1], [], []>, transpose_lhs_hint = false} : vector<64x128xf32>, vector<128x128xf32>, vector<64x128xf32> -> vector<64x128xf32>
      %get3A_81 = arith.constant 0 : index
      %get3A_82 = arith.constant 0 : index
      %get3A_83 = vector.load %arg12[%get3A_81, %get3A_82] : memref<1x128xf32, #tpu.memory_space<vmem>>, vector<1x128xf32>
      %add3A_84 = vector.broadcast %get3A_83 : vector<1x128xf32> to vector<64x128xf32>
      %add3A_85 = arith.addf %dot_general3A_80, %add3A_84 : vector<64x128xf32>
      %max3A_86 = arith.constant 0.000000e+00 : f32
      %max3A_87 = vector.broadcast %max3A_86 : f32 to vector<64x128xf32>
      %max3A_88 = arith.maximumf %add3A_85, %max3A_87 : vector<64x128xf32>
      %get3A_89 = arith.constant 0 : index
      %get3A_90 = arith.constant 0 : index
      %get3A_91 = vector.load %arg13[%get3A_89, %get3A_90] : memref<128x1xf32, #tpu.memory_space<vmem>>, vector<128x1xf32>
      %dot_general3A_92 = arith.constant dense<0.000000e+00> : vector<64x1xf32>
      %dot_general3A_93 = tpu.matmul %max3A_88, %get3A_91, %dot_general3A_92 {dimension_numbers = #tpu.dot_dimension_numbers<[1], [0], [0], [1], [0, 0, 1, 1], [], []>, transpose_lhs_hint = false} : vector<64x128xf32>, vector<128x1xf32>, vector<64x1xf32> -> vector<64x1xf32>
      %get3A_94 = arith.constant 0 : index
      %get3A_95 = arith.constant 0 : index
      %get3A_96 = vector.load %arg14[%get3A_94, %get3A_95] : memref<1x1xf32, #tpu.memory_space<vmem>>, vector<1x1xf32>
      %add3A_97 = vector.broadcast %get3A_96 : vector<1x1xf32> to vector<64x1xf32>
      %add3A_98 = arith.addf %dot_general3A_93, %add3A_97 : vector<64x1xf32>
      %logistic3A = arith.negf %add3A_98 : vector<64x1xf32>
      %logistic3A_99 = math.exp %logistic3A : vector<64x1xf32>
      %logistic3A_100 = arith.constant 1.000000e+00 : f32
      %logistic3A_101 = vector.broadcast %logistic3A_100 : f32 to vector<64x1xf32>
      %logistic3A_102 = arith.addf %logistic3A_101, %logistic3A_99 : vector<64x1xf32>
      %logistic3A_103 = arith.divf %logistic3A_101, %logistic3A_102 : vector<64x1xf32>
      %swap3A_104 = arith.constant 0 : index
      %swap3A_105 = arith.constant 0 : index
      %swap3A_106 = vector.load %arg16[%swap3A_104, %swap3A_105] : memref<64x1xf32, #tpu.memory_space<vmem>>, vector<64x1xf32>
      tpu.vector_store %arg16[%swap3A_104, %swap3A_105], %logistic3A_103 {strides = array<i32>} : memref<64x1xf32, #tpu.memory_space<vmem>>, vector<64x1xf32>,
    } else {
    }
    return
  }
  func.func @transform_0(%arg0: i32) -> (i32, i32, i32) {
    %c0_i32 = arith.constant 0 : i32
    %c0_i32_0 = arith.constant 0 : i32
    %c0_i32_1 = arith.constant 0 : i32
    return %c0_i32, %arg0, %c0_i32_0 : i32, i32, i32
  }
  func.func @transform_1(%arg0: i32) -> (i32, i32) {
    %c0_i32 = arith.constant 0 : i32
    %c0_i32_0 = arith.constant 0 : i32
    return %arg0, %c0_i32 : i32, i32
  }
  func.func @transform_2(%arg0: i32) -> (i32, i32) {
    %c0_i32 = arith.constant 0 : i32
    %c0_i32_0 = arith.constant 0 : i32
    return %arg0, %c0_i32 : i32, i32
  }
  func.func @transform_3(%arg0: i32) -> (i32, i32) {
    %c0_i32 = arith.constant 0 : i32
    %c0_i32_0 = arith.constant 0 : i32
    %c0_i32_1 = arith.constant 0 : i32
    return %c0_i32, %c0_i32_0 : i32, i32
  }
  func.func @transform_4(%arg0: i32) -> (i32, i32) {
    %c0_i32 = arith.constant 0 : i32
    %c0_i32_0 = arith.constant 0 : i32
    %c0_i32_1 = arith.constant 0 : i32
    return %c0_i32, %c0_i32_0 : i32, i32
  }
  func.func @transform_5(%arg0: i32) -> (i32, i32) {
    %c0_i32 = arith.constant 0 : i32
    %c0_i32_0 = arith.constant 0 : i32
    return %arg0, %c0_i32 : i32, i32
  }
  func.func @transform_6(%arg0: i32) -> (i32, i32) {
    %c0_i32 = arith.constant 0 : i32
    %c0_i32_0 = arith.constant 0 : i32
    %c0_i32_1 = arith.constant 0 : i32
    return %c0_i32, %c0_i32_0 : i32, i32
  }
  func.func @transform_7(%arg0: i32) -> (i32, i32) {
    %c0_i32 = arith.constant 0 : i32
    %c0_i32_0 = arith.constant 0 : i32
    %c0_i32_1 = arith.constant 0 : i32
    return %c0_i32, %c0_i32_0 : i32, i32
  }
  func.func @transform_8(%arg0: i32) -> (i32, i32) {
    %c0_i32 = arith.constant 0 : i32
    %c0_i32_0 = arith.constant 0 : i32
    %c0_i32_1 = arith.constant 0 : i32
    return %c0_i32, %c0_i32_0 : i32, i32
  }
  func.func @transform_9(%arg0: i32) -> (i32, i32) {
    %c0_i32 = arith.constant 0 : i32
    %c0_i32_0 = arith.constant 0 : i32
    %c0_i32_1 = arith.constant 0 : i32
    return %c0_i32, %c0_i32_0 : i32, i32
  }
  func.func @transform_10(%arg0: i32) -> (i32, i32) {
    %c0_i32 = arith.constant 0 : i32
    %c0_i32_0 = arith.constant 0 : i32
    %c0_i32_1 = arith.constant 0 : i32
    return %c0_i32, %c0_i32_0 : i32, i32
  }
  func.func @transform_11(%arg0: i32) -> (i32, i32) {
    %c0_i32 = arith.constant 0 : i32
    %c0_i32_0 = arith.constant 0 : i32
    %c0_i32_1 = arith.constant 0 : i32
    return %c0_i32, %c0_i32_0 : i32, i32
  }
  func.func @transform_12(%arg0: i32) -> (i32, i32) {
    %c0_i32 = arith.constant 0 : i32
    %c0_i32_0 = arith.constant 0 : i32
    %c0_i32_1 = arith.constant 0 : i32
    return %c0_i32, %c0_i32_0 : i32, i32
  }
  func.func @transform_13(%arg0: i32) -> (i32, i32) {
    %c0_i32 = arith.constant 0 : i32
    %c0_i32_0 = arith.constant 0 : i32
    %c0_i32_1 = arith.constant 0 : i32
    return %c0_i32, %c0_i32_0 : i32, i32
  }
  func.func @transform_14(%arg0: i32) -> (i32, i32) {
    %c0_i32 = arith.constant 0 : i32
    %c0_i32_0 = arith.constant 0 : i32
    %c0_i32_1 = arith.constant 0 : i32
    return %c0_i32, %c0_i32_0 : i32, i32
  }
  func.func @transform_15(%arg0: i32) -> (i32, i32) {
    %c0_i32 = arith.constant 0 : i32
    %c0_i32_0 = arith.constant 0 : i32
    %c0_i32_1 = arith.constant 0 : i32
    return %c0_i32, %c0_i32_0 : i32, i32
  }
}

</mosaic_0001>

<sc_bundles>
// kernel: kernel.13.cloned.1.call-start
scs
__scs_entry_jumppad:
0x0: {  	(pc) =	sbr.rel $0x88, $3  }
0x1: {  	(tag) =	ssettag $0x0;
	lr =	simm.s32 $0x1  }
0x2: {  	[smem:$0x3F92] =	sst lr;
	_ =	strace $0xD0000000  }
0x3: {  	_ = 	snop  }
0x4: {  	_ = 	snop  }
0x5: {  	_ = 	snop  }
0x6: {  	_ = 	snop  }
0x7: {  	_ = 	snop  }
__scs_overlays_trampoline_lowered:
0x8: {  	[smem:$0x3FA1] =	sst s0  }
0x9: {  	[smem:$0x3FA2] =	sst s1  }
0xa: {  	[smem:$0x3FA3] =	sst s2  }
0xb: {  	[smem:$0x3FA4] =	sst s3  }
0xc: {  	[smem:$0x3FA5] =	sst s4  }
0xd: {  	[smem:$0x3FA6] =	sst s5  }
0xe: {  	[smem:$0x3FA7] =	sst s6  }
0xf: {  	[smem:$0x3FA8] =	sst s7  }
0x10: {  	[smem:$0x3FA9] =	sst s8  }
0x11: {  	[smem:$0x3FAA] =	sst s9;
	s0 =	simm.s32 @!p0 $0x0  }
0x12: {  	s1 =	sld [smem:$0x3F90];
	s0 =	simm.s32 @p0 $0x1  }
0x13: {  	[smem:$0x3FAB] =	sst s0;
	s0 =	simm.s32 @!p1 $0x0  }
0x14: {  	s2 =	sld [smem:$0x3F8F];
	s0 =	simm.s32 @p1 $0x1  }
0x15: {  	[smem:$0x3FAC] =	sst s0;
	s0 =	simm.s32 @!p2 $0x0  }
0x16: {  	s3 =	sld [smem:$0x3FDB];
	s0 =	simm.s32 @p2 $0x1  }
0x17: {  	s4 =	simm.s32 $0x1BF5;
	[smem:$0x3FAE] =	sst s0  }
0x18: {  	s0 =	sld [smem:$0x3F91];
	_ =	swait.ge [sflag:s4], $0x0  }
0x19: {  	s7 =	sld [smem:$0x3F92]  }
0x1a: {  	s8 =	sadd.s32 $0xFFFFE003, lr  }
0x1b: {  	s9 =	sadd.s32 $0xFFFFFEF7, lr;
	s5 =	simm.s32 $0xFFFFFFFF;
	p2 =	slt.u32 s8, $0xFFFFF086  }
0x1c: {  	p1 =	slt.u32 s9, $0xF7A;
	s5 =	simm.s32 @!p2 $0x0  }
0x1d: {  	s5 =	simm.s32 @p1 $0x1;
	p0 =	seq.s32 s7, s2  }
0x1e: {  	s7 =	smul.u32 @!p0 $0xF7A, s2;
	p2 =	seq.s32 @!p0 s5, $0x0  }
0x1f: {  	s9 =	smul.u32 $0xF7A, s1;
	s8 =	simm.s32 @!p0 $0x1BF5;
	p2 =	por !p2, p0  }
0x20: {  	[sflag:s8] =	ssyncset.s32 @!p0 $0xFFFFF086;
	s6 =	sadd.s32 @!p0 s3, s7;
	s7 =	simm.s32 @!p0 $0x108  }
0x21: {  	s3 =	sadd.s32 s3, s9;
	s6 =	sadd.s32 @!p0 $0x88, s6;
	s7 =	simm.s32 @p2 $0x1082  }
0x22: {  	[simem:s7], [sflag:s8] =	dma.local @!p0 [hbm:s6], $0xF7A  }
0x23: {  	s9 =	sor.u32 $0xD0000000, s2;
	s6 =	simm.s32 $0x108;
	_ =	swait.ge @!p0 [sflag:s8], $0x0  }
0x24: {  	s3 =	sadd.s32 $0x88, s3;
	s6 =	simm.s32 @!p1 $0x1082;
	[sflag:s4] =	ssyncset.s32 $0xFFFFF086  }
0x25: {  	[simem:s6], [sflag:s4] =	dma.local [hbm:s3], $0xF7A  }
0x26: {  	[smem:$0x3F92] =	sst s1;
	(tag) =	ssettag s2;
	_ =	strace s9  }
0x27: {  	s1 =	sld [smem:$0x3FA2]  }
0x28: {  	s2 =	sld [smem:$0x3FA3]  }
0x29: {  	s4 =	sld [smem:$0x3FA5]  }
0x2a: {  	p0 =	seq.s32 s5, $0x0;
	s5 =	sld [smem:$0x3FA6]  }
0x2b: {  	s6 =	sld [smem:$0x3FA7]  }
0x2c: {  	s7 =	sld [smem:$0x3FA8]  }
0x2d: {  	s3 =	simm.s32 $0x108;
	s8 =	sld [smem:$0x3FA9]  }
0x2e: {  	s3 =	simm.s32 @!p0 $0x1082;
	s9 =	sld [smem:$0x3FAA]  }
0x2f: {  	lr =	sadd.s32 s0, s3;
	s0 =	sld [smem:$0x3FA1]  }
0x30: {  	s3 =	sld [smem:$0x3FA4]  }
0x31: {  	[smem:$0x3FAD] =	sst s10  }
0x32: {  	s10 =	sld [smem:$0x3FAB];
	_ =	sdelay $0x3  }
0x33: {  	p0 =	seq.s32 s10, $0x1;
	s10 =	sld [smem:$0x3FAD];
	_ =	sdelay $0x3  }
0x34: {  	[smem:$0x3FAD] =	sst s10  }
0x35: {  	s10 =	sld [smem:$0x3FAC];
	_ =	sdelay $0x3  }
0x36: {  	p1 =	seq.s32 s10, $0x1;
	s10 =	sld [smem:$0x3FAD];
	_ =	sdelay $0x3  }
0x37: {  	[smem:$0x3FAD] =	sst s10  }
0x38: {  	s10 =	sld [smem:$0x3FAE]  }
0x39: {  	_ = 	snop;
	(pc) =	sbr.ind lr, $3  }
0x3a: {  	_ = 	snop  }
0x3b: {  	_ = 	snop  }
0x3c: {  	p2 =	seq.s32 s10, $0x1;
	s10 =	sld [smem:$0x3FAD]  }
0x3d: {  	_ =	shalt  }
0x3e: {  	_ =	shalt  }
0x3f: {  	_ =	shalt  }
0x40: {  	_ =	shalt  }
0x41: {  	_ =	shalt  }
0x42: {  	_ =	shalt  }
0x43: {  	_ =	shalt  }
0x44: {  	_ =	shalt  }
0x45: {  	_ =	shalt  }
0x46: {  	_ =	shalt  }
0x47: {  	_ =	shalt  }
0x48: {  	_ =	shalt  }
0x49: {  	_ =	shalt  }
0x4a: {  	_ =	shalt  }
0x4b: {  	_ =	shalt  }
0x4c: {  	_ =	shalt  }
0x4d: {  	_ =	shalt  }
0x4e: {  	_ =	shalt  }
0x4f: {  	_ =	shalt  }
0x50: {  	_ =	shalt  }
0x51: {  	_ =	shalt  }
0x52: {  	_ =	shalt  }
0x53: {  	_ =	shalt  }
0x54: {  	_ =	shalt  }
0x55: {  	_ =	shalt  }
0x56: {  	_ =	shalt  }
0x57: {  	_ =	shalt  }
0x58: {  	_ =	shalt  }
0x59: {  	_ =	shalt  }
0x5a: {  	_ =	shalt  }
0x5b: {  	_ =	shalt  }
0x5c: {  	_ =	shalt  }
0x5d: {  	_ =	shalt  }
0x5e: {  	_ =	shalt  }
0x5f: {  	_ =	shalt  }
0x60: {  	_ =	shalt  }
0x61: {  	_ =	shalt  }
0x62: {  	_ =	shalt  }
0x63: {  	_ =	shalt  }
0x64: {  	_ =	shalt  }
0x65: {  	_ =	shalt  }
0x66: {  	_ =	shalt  }
0x67: {  	_ =	shalt  }
0x68: {  	_ =	shalt  }
0x69: {  	_ =	shalt  }
0x6a: {  	_ =	shalt  }
0x6b: {  	_ =	shalt  }
0x6c: {  	_ =	shalt  }
0x6d: {  	_ =	shalt  }
0x6e: {  	_ =	shalt  }
0x6f: {  	_ =	shalt  }
0x70: {  	_ =	shalt  }
0x71: {  	_ =	shalt  }
0x72: {  	_ =	shalt  }
0x73: {  	_ =	shalt  }
0x74: {  	_ =	shalt  }
0x75: {  	_ =	shalt  }
0x76: {  	_ =	shalt  }
0x77: {  	_ =	shalt  }
0x78: {  	_ =	shalt  }
0x79: {  	_ =	shalt  }
0x7a: {  	_ =	shalt  }
0x7b: {  	_ =	shalt  }
0x7c: {  	_ =	shalt  }
0x7d: {  	_ =	shalt  }
0x7e: {  	_ =	shalt  }
0x7f: {  	_ =	shalt  }
0x80: {  	_ =	shalt  }
0x81: {  	_ =	shalt  }
0x82: {  	_ =	shalt  }
0x83: {  	_ =	shalt  }
0x84: {  	_ =	shalt  }
0x85: {  	_ =	shalt  }
0x86: {  	_ =	shalt  }
0x87: {  	_ =	shalt  }
.Lfunc_end0:
.L_simem_size_0:
called_computation_lowered:
.L_overlay_start_0:
0x88: {  	s2 =	sld [smem:$0x3FD9]  }
0x89: {  	s3 =	sld [smem:$0x3FFE];
	_ =	sdelay $0x1  }
0x8a: {  	s1 =	srdreg.scid  }
0x8b: {  	s0 =	sand.u32 $0x1, s1  }
0x8c: {  	s16 =	sshll.u32 s0, $0xA;
	s2 =	sadd.s32 s3, s2  }
0x8d: {  	s2 =	sadd.s32 s2, s16  }
0x8e: {  	[smem:$0x3FB9] =	sst s2  }
0x8f: {  	_ = 	snop  }
0x90: {  	(tm) =	ssettm $0x1  }
0x91: {  	s17 =	sld [smem:$0x3FFB];
	_ =	sdelay $0x3  }
0x92: {  	_ =	strace s17  }
0x93: {  	s2 =	sld [smem:$0x3FFC];
	_ =	sdelay $0x3  }
0x94: {  	_ =	strace s2  }
0x95: {  	s2 =	sld [smem:$0x3FFD];
	_ =	sdelay $0x3  }
0x96: {  	_ =	strace s2  }
0x97: {  	_ =	strace $0x8FFFFFFF  }
0x98: {  	s18 =	sld [smem:$0x3FDB];
	_ =	sdelay $0x1  }
0x99: {  	s19 =	simm.s32 $_scs_section_size  }
0x9a: {  	s4 =	simm.s32 $_size__tile_overlayer_lowered;
	s5 =	simm.s32 $_tile_overlayer_lowered  }
0x9b: {  	s22 =	simm.s32 $0x1BFF;
	s21 =	sshll.u32 s5, $0x1;
	s2 =	sadd.s32 s19, s18  }
0x9c: {  	s6 =	simm.s32 $0x0;
	s20 =	sshll.u32 s4, $0x1;
	s4 =	sadd.s32 s21, s2  }
0x9d: {  	[timem:s6], [sflag:s22] =	dma.local [hbm:s4], s20  }
0x9e: {  	_ =	swait.ge [sflag:s22], s20  }
0x9f: {  	s3 =	ssub.s32 $0x0, s20;
	[sflag:s22] =	ssyncset.done $0x0  }
0xa0: {  	[sflag:s22] =	ssyncadd.s32 s3;
	_ =	sdelay $0x1  }
0xa1: {  	s23 =	simm.s32 $0x1B8B  }
0xa2: {  	_ =	swait.ge [sflag:s23], $0x1  }
0xa3: {  	[sflag:s23] =	ssyncset.done $0x0  }
0xa4: {  	s25 =	simm.s32 $0x1B8E;
	s24 =	sld [smem:$0x3FFE];
	[sflag:s23] =	ssyncadd.s32 $0xFFFFFFFF  }
0xa5: {  	s26 =	simm.s32 $execute0_lowered;
	[smem:$0x3FD2] =	sst s25  }
0xa6: {  	s4 =	sshll.u32 s26, $0x1;
	_ =	strace $0x80000046;
	[dreg:$0x1] =	wrdreg $0xFFFFFFFF  }
0xa7: {  	s28 =	simm.s32 $_size_execute0_lowered;
	s2 =	sadd.s32 s2, s4;
	[dreg:$0x0] =	wrdreg $0x0  }
0xa8: {  	s4 =	sshll.u32 s28, $0x1;
	[dreg:$0x2] =	wrdreg s2  }
0xa9: {  	[dreg:$0x3] =	wrdreg s4  }
0xaa: {  	[dreg:$0x4] =	wrdreg $0xC0  }
0xab: {  	_ =	task [dreg:s6], $0x5FFFF  }
0xac: {  	[dreg:$0x1] =	wrdreg $0xFFFFFFFF  }
0xad: {  	[dreg:$0x0] =	wrdreg $0x60  }
0xae: {  	[dreg:$0x2] =	wrdreg s24  }
0xaf: {  	[dreg:$0x3] =	wrdreg $0x68000  }
0xb0: {  	[dreg:$0x4] =	wrdreg $0x9  }
0xb1: {  	_ =	task.clear_ibuf [dreg:s6], $0x5FFFF;
	_ =	strace $0x90000046  }
0xb2: {  	s29 =	simm.s32 $0x9;
	_ =	strace $0x80000048  }
0xb3: {  	_ =	swait.ge [sflag:s29], $0x1  }
0xb4: {  	[sflag:s29] =	ssyncadd.s32 $0xFFFFFFFF  }
0xb5: {  	_ =	strace $0x90000048  }
0xb6: {  	_ =	sfence  }
0xb7: {  	s30 =	sld [smem:$0x0];
	_ =	sdelay $0x2  }
0xb8: {  	s31 =	sshll.u32 s1, $0xD;
	s1 =	sshrl.u32 s1, $0x2  }
0xb9: {  	s3 =	sand.u32 $0x4000, s31;
	s1 =	sadd.s32 s1, s30  }
0xba: {  	s0 =	sor.u32 s3, s0;
	s1 =	sshll.u32 s1, $0x11  }
0xbb: {  	s0 =	sor.u32 s1, s0  }
0xbc: {  	s0 =	sadd.s32 $0x8F2B, s0  }
0xbd: {  	[sflag:s0] =	ssyncadd.remote.s32 $0x1  }
0xbe: {  	_ =	sfence.sel $0xFFFF  }
0xbf: {  	[dreg:$0x0] =	wrdreg $0xFFFFFFFF;
	(pc) =	sbr.abs _section_cstart, $3  }
0xc0: {  	[dreg:$0x1] =	wrdreg $0xFFFFFFFF  }
0xc1: {  	_ =	task.clear_ibuf [dreg:s6], $0x2FFFF;
	_ =	strace $0x9FFFFFFF  }
0xc2: {  	(tm) =	ssettm $0x7FFFFFFF  }
0xc3: {  	_ =	shalt  }
tec
execute0_lowered:
.L_overlay_start_1:
0x0: {  	(tag) =	ssettag $0x1  }
0x1: {  	s1 =	srdreg.scid;
	s5 =	rddreg [dreg:$0x0]  }
0x2: {  	s0 =	stileid.u32;
	s2 =	rddreg [dreg:$0x1];
	s3 =	simm.s32 $0x0  }
0x3: {  	s13 =	simm.s32 $0x80;
	s14 =	simm.s32 $0x0;
	s6 =	sand.u32 $0x1, s1  }
0x4: {  	s28 =	sshll.u32 s0, $0x1;
	s1 =	rddreg [dreg:$0x2];
	s7 =	smul.u32 $0x14000, s0  }
0x5: {  	[smem:$0x7FF] =	sst s3;
	s29 =	smul.u32 $0x50000, s0;
	s31 =	sshll.u32 s0, $0x6  }
0x6: {  	s4 =	sor.u32 s6, s28;
	_ =	strace $0x80000047;
	s8 =	smul.u32 $0x140000, s6  }
0x7: {  	s6 =	ssub.s32 $0x2, s6;
	s4 =	smul.u32 $0x500, s4;
	s10 =	sshrl.u32 s7, $0x3  }
0x8: {  	s11 =	sshrl.u32 s6, $0x1;
	s30 =	sshrl.u32 s29, $0x2;
	s7 =	sadd.s32 s7, s8  }
0x9: {  	s10 =	sadd.s32 s10, s5;
	s11 =	ssub.s32 s6, s11;
	s12 =	sadd.s32 s30, s2  }
0xa: {  	s9 =	sadd.s32 s4, s5;
	s4 =	sadd.s32 $0x36C00, s5;
	s7 =	sshrl.u32 s7, $0x3  }
0xb: {  	s6 =	sadd.s32 $0xEC00, s10;
	s8 =	smax.u32 s11, $0x1;
	s10 =	simm.s32 $0x2800  }
0xc: {  	s11 =	sor.u32 $0x1C01, s31;
	s12 =	sshrl.u32 s12, $0x3;
	s7 =	sadd.s32 s7, s5  }
0xd: {  	s5 =	sadd.s32 $0x4C00, s9;
	s9 =	simm.s32 $0x1;
	s7 =	sadd.s32 $0x37400, s7  }
.LBB2_1:
0xe: {  	[tilespmem:s3], [sflag:$0x1] =	stream.linear.gather [hbm4b:s5+s3], $0x2780, $0x38;
	[tilespmem:$0x1A800] =	vst v63  }
0xf: {  	_ =	swait.ge [sflag:s9], $0x2780  }
0x10: {  	[sflag:s9] =	ssyncset.done $0x0  }
0x11: {  	[sflag:s9] =	ssyncadd.s32 $0xFFFFD880  }
0x12: {  	[tilespmem:s10], [sflag:$0x1] =	stream.linear.gather [hbm4b:s4+s3], $0x4000, $0x38;
	[tilespmem:$0x1A800] =	vst v63  }
0x13: {  	_ =	swait.ge [sflag:s9], $0x4000  }
0x14: {  	[sflag:s9] =	ssyncset.done $0x0  }
0x15: {  	[sflag:s9] =	ssyncadd.s32 $0xFFFFC000  }
0x16: {  	[spmem:s12], [sflag:s11] =	dma.local [hbm:s6], $0x2800  }
0x17: {  	_ =	swait.ge [sflag:s9], $0x2800  }
0x18: {  	[sflag:s9] =	ssyncset.done $0x0  }
0x19: {  	[sflag:s9] =	ssyncadd.s32 $0xFFFFD800  }
0x1a: {  	s15 =	simm.s32 $0x0;
	[bflag:$0x0] =	sbarrier.arrive $0xFFFF  }
0x1b: {  	[spmem:s2] =	stream.indirect.scatter.add.f32 [tilespmem:s10], [sflag:$0x1], $0x80, s15, s13, $0xb8;
	[tilespmem:$0x1A800] =	vst v63  }
0x1c: {  	_ =	swait.ge [sflag:s9], $0x4000  }
0x1d: {  	s15 =	simm.s32 $0x200;
	[sflag:s9] =	ssyncset.done $0x0  }
.LBB2_2:
0x1e: {  	s16 =	sshra.s32 s15, $0x2;
	[sflag:s9] =	ssyncadd.s32 $0xFFFFC000;
	p0 =	sne.s32 s15, $0x9C00  }
0x1f: {  	[spmem:s2] =	stream.indirect.scatter.add.f32 [tilespmem:s10], [sflag:$0x1], $0x80, s16, s13, $0xb8;
	[tilespmem:$0x1A800] =	vst v63  }
.Ltmp0:
0x20: {  	_ = 	snop;
	(pc) =	sbr.rel @p0 .LBB2_2-.Ltmp0, $4  }
0x21: {  	_ = 	snop  }
0x22: {  	s15 =	sadd.s32 $0x200, s15  }
0x23: {  	_ =	swait.ge [sflag:s9], $0x4000  }
0x24: {  	[sflag:s9] =	ssyncset.done $0x0  }
0x25: {  	s14 =	sadd.s32 $0x1, s14  }
0x26: {  	[sflag:s9] =	ssyncadd.s32 $0xFFFFC000;
	p0 =	sne.s32 s14, s8  }
.Ltmp1:
0x27: {  	[bflag:$0x0] =	sbarrier.arrive $0xFFFF;
	(pc) =	sbr.rel @p0 .LBB2_1-.Ltmp1, $4  }
0x28: {  	[hbm:s7], [sflag:s11] =	dma.local [spmem:s12], $0x2800  }
0x29: {  	_ =	swait.ge [sflag:s9], $0x2800  }
0x2a: {  	[sflag:s9] =	ssyncset.done $0x0  }
0x2b: {  	[sflag:s9] =	ssyncadd.s32 $0xFFFFD800  }
0x2c: {  	_ =	sfence.sel $0x180000  }
0x2d: {  	[bflag:$0x0] =	sbarrier.arrive $0xFFFF  }
0x2e: {  	p0 =	sne.s32 s0, $0x0;
	_ =	strace $0x90000047  }
0x2f: {  	s0 =	sadd.s32 @!p0 $0x100000, s1;
	[bflag:$0x2] =	sbarrier.arrive $0xFFFF  }
0x30: {  	[sflag:s0] =	ssyncadd.tile.s32 @!p0 $0x1;
	_ =	shalt  }
.Lfunc_end2:
_tile_overlayer_lowered:
.L_overlay_start_2:
0x31: {  	(tag) =	ssettag $0x2  }
0x32: {  	s0 =	rddreg [dreg:$0x0];
	s2 =	stileid.u32  }
0x33: {  	s1 =	rddreg [dreg:$0x1];
	p0 =	sne.s32 s2, $0x0  }
0x34: {  	s3 =	rddreg [dreg:$0x2];
	[bflag:$0x3] =	sbarrier.arrive $0xFFFF;
	s2 =	simm.s32 @!p0 $0x1C01  }
0x35: {  	[timem:s3], [sflag:s2] =	dma.local @!p0 [hbm:s0], s1  }
0x36: {  	s0 =	simm.s32 @!p0 $0x1  }
0x37: {  	_ =	swait.ge @!p0 [sflag:s0], s1  }
0x38: {  	s1 =	ssub.s32 @!p0 $0x0, s1;
	[sflag:s0] =	ssyncset.done @!p0 $0x0  }
0x39: {  	[sflag:s0] =	ssyncadd.s32 @!p0 s1  }
0x3a: {  	[bflag:$0x3] =	sbarrier.arrive $0xFFFF  }
0x3b: {  	_ =	shalt  }

// kernel: kernel.16.cloned.1.call-start
scs
__scs_entry_jumppad:
0x0: {  	(pc) =	sbr.rel $0x88, $3  }
0x1: {  	(tag) =	ssettag $0x0;
	lr =	simm.s32 $0x1  }
0x2: {  	[smem:$0x3F92] =	sst lr;
	_ =	strace $0xD0000000  }
0x3: {  	_ = 	snop  }
0x4: {  	_ = 	snop  }
0x5: {  	_ = 	snop  }
0x6: {  	_ = 	snop  }
0x7: {  	_ = 	snop  }
__scs_overlays_trampoline_lowered:
0x8: {  	[smem:$0x3FA1] =	sst s0  }
0x9: {  	[smem:$0x3FA2] =	sst s1  }
0xa: {  	[smem:$0x3FA3] =	sst s2  }
0xb: {  	[smem:$0x3FA4] =	sst s3  }
0xc: {  	[smem:$0x3FA5] =	sst s4  }
0xd: {  	[smem:$0x3FA6] =	sst s5  }
0xe: {  	[smem:$0x3FA7] =	sst s6  }
0xf: {  	[smem:$0x3FA8] =	sst s7  }
0x10: {  	[smem:$0x3FA9] =	sst s8  }
0x11: {  	[smem:$0x3FAA] =	sst s9;
	s0 =	simm.s32 @!p0 $0x0  }
0x12: {  	s1 =	sld [smem:$0x3F90];
	s0 =	simm.s32 @p0 $0x1  }
0x13: {  	[smem:$0x3FAB] =	sst s0;
	s0 =	simm.s32 @!p1 $0x0  }
0x14: {  	s2 =	sld [smem:$0x3F8F];
	s0 =	simm.s32 @p1 $0x1  }
0x15: {  	[smem:$0x3FAC] =	sst s0;
	s0 =	simm.s32 @!p2 $0x0  }
0x16: {  	s3 =	sld [smem:$0x3FDB];
	s0 =	simm.s32 @p2 $0x1  }
0x17: {  	s4 =	simm.s32 $0x1BF5;
	[smem:$0x3FAE] =	sst s0  }
0x18: {  	s0 =	sld [smem:$0x3F91];
	_ =	swait.ge [sflag:s4], $0x0  }
0x19: {  	s7 =	sld [smem:$0x3F92]  }
0x1a: {  	s8 =	sadd.s32 $0xFFFFE003, lr  }
0x1b: {  	s9 =	sadd.s32 $0xFFFFFEF7, lr;
	s5 =	simm.s32 $0xFFFFFFFF;
	p2 =	slt.u32 s8, $0xFFFFF086  }
0x1c: {  	p1 =	slt.u32 s9, $0xF7A;
	s5 =	simm.s32 @!p2 $0x0  }
0x1d: {  	s5 =	simm.s32 @p1 $0x1;
	p0 =	seq.s32 s7, s2  }
0x1e: {  	s7 =	smul.u32 @!p0 $0xF7A, s2;
	p2 =	seq.s32 @!p0 s5, $0x0  }
0x1f: {  	s9 =	smul.u32 $0xF7A, s1;
	s8 =	simm.s32 @!p0 $0x1BF5;
	p2 =	por !p2, p0  }
0x20: {  	[sflag:s8] =	ssyncset.s32 @!p0 $0xFFFFF086;
	s6 =	sadd.s32 @!p0 s3, s7;
	s7 =	simm.s32 @!p0 $0x108  }
0x21: {  	s3 =	sadd.s32 s3, s9;
	s6 =	sadd.s32 @!p0 $0x88, s6;
	s7 =	simm.s32 @p2 $0x1082  }
0x22: {  	[simem:s7], [sflag:s8] =	dma.local @!p0 [hbm:s6], $0xF7A  }
0x23: {  	s9 =	sor.u32 $0xD0000000, s2;
	s6 =	simm.s32 $0x108;
	_ =	swait.ge @!p0 [sflag:s8], $0x0  }
0x24: {  	s3 =	sadd.s32 $0x88, s3;
	s6 =	simm.s32 @!p1 $0x1082;
	[sflag:s4] =	ssyncset.s32 $0xFFFFF086  }
0x25: {  	[simem:s6], [sflag:s4] =	dma.local [hbm:s3], $0xF7A  }
0x26: {  	[smem:$0x3F92] =	sst s1;
	(tag) =	ssettag s2;
	_ =	strace s9  }
0x27: {  	s1 =	sld [smem:$0x3FA2]  }
0x28: {  	s2 =	sld [smem:$0x3FA3]  }
0x29: {  	s4 =	sld [smem:$0x3FA5]  }
0x2a: {  	p0 =	seq.s32 s5, $0x0;
	s5 =	sld [smem:$0x3FA6]  }
0x2b: {  	s6 =	sld [smem:$0x3FA7]  }
0x2c: {  	s7 =	sld [smem:$0x3FA8]  }
0x2d: {  	s3 =	simm.s32 $0x108;
	s8 =	sld [smem:$0x3FA9]  }
0x2e: {  	s3 =	simm.s32 @!p0 $0x1082;
	s9 =	sld [smem:$0x3FAA]  }
0x2f: {  	lr =	sadd.s32 s0, s3;
	s0 =	sld [smem:$0x3FA1]  }
0x30: {  	s3 =	sld [smem:$0x3FA4]  }
0x31: {  	[smem:$0x3FAD] =	sst s10  }
0x32: {  	s10 =	sld [smem:$0x3FAB];
	_ =	sdelay $0x3  }
0x33: {  	p0 =	seq.s32 s10, $0x1;
	s10 =	sld [smem:$0x3FAD];
	_ =	sdelay $0x3  }
0x34: {  	[smem:$0x3FAD] =	sst s10  }
0x35: {  	s10 =	sld [smem:$0x3FAC];
	_ =	sdelay $0x3  }
0x36: {  	p1 =	seq.s32 s10, $0x1;
	s10 =	sld [smem:$0x3FAD];
	_ =	sdelay $0x3  }
0x37: {  	[smem:$0x3FAD] =	sst s10  }
0x38: {  	s10 =	sld [smem:$0x3FAE]  }
0x39: {  	_ = 	snop;
	(pc) =	sbr.ind lr, $3  }
0x3a: {  	_ = 	snop  }
0x3b: {  	_ = 	snop  }
0x3c: {  	p2 =	seq.s32 s10, $0x1;
	s10 =	sld [smem:$0x3FAD]  }
0x3d: {  	_ =	shalt  }
0x3e: {  	_ =	shalt  }
0x3f: {  	_ =	shalt  }
0x40: {  	_ =	shalt  }
0x41: {  	_ =	shalt  }
0x42: {  	_ =	shalt  }
0x43: {  	_ =	shalt  }
0x44: {  	_ =	shalt  }
0x45: {  	_ =	shalt  }
0x46: {  	_ =	shalt  }
0x47: {  	_ =	shalt  }
0x48: {  	_ =	shalt  }
0x49: {  	_ =	shalt  }
0x4a: {  	_ =	shalt  }
0x4b: {  	_ =	shalt  }
0x4c: {  	_ =	shalt  }
0x4d: {  	_ =	shalt  }
0x4e: {  	_ =	shalt  }
0x4f: {  	_ =	shalt  }
0x50: {  	_ =	shalt  }
0x51: {  	_ =	shalt  }
0x52: {  	_ =	shalt  }
0x53: {  	_ =	shalt  }
0x54: {  	_ =	shalt  }
0x55: {  	_ =	shalt  }
0x56: {  	_ =	shalt  }
0x57: {  	_ =	shalt  }
0x58: {  	_ =	shalt  }
0x59: {  	_ =	shalt  }
0x5a: {  	_ =	shalt  }
0x5b: {  	_ =	shalt  }
0x5c: {  	_ =	shalt  }
0x5d: {  	_ =	shalt  }
0x5e: {  	_ =	shalt  }
0x5f: {  	_ =	shalt  }
0x60: {  	_ =	shalt  }
0x61: {  	_ =	shalt  }
0x62: {  	_ =	shalt  }
0x63: {  	_ =	shalt  }
0x64: {  	_ =	shalt  }
0x65: {  	_ =	shalt  }
0x66: {  	_ =	shalt  }
0x67: {  	_ =	shalt  }
0x68: {  	_ =	shalt  }
0x69: {  	_ =	shalt  }
0x6a: {  	_ =	shalt  }
0x6b: {  	_ =	shalt  }
0x6c: {  	_ =	shalt  }
0x6d: {  	_ =	shalt  }
0x6e: {  	_ =	shalt  }
0x6f: {  	_ =	shalt  }
0x70: {  	_ =	shalt  }
0x71: {  	_ =	shalt  }
0x72: {  	_ =	shalt  }
0x73: {  	_ =	shalt  }
0x74: {  	_ =	shalt  }
0x75: {  	_ =	shalt  }
0x76: {  	_ =	shalt  }
0x77: {  	_ =	shalt  }
0x78: {  	_ =	shalt  }
0x79: {  	_ =	shalt  }
0x7a: {  	_ =	shalt  }
0x7b: {  	_ =	shalt  }
0x7c: {  	_ =	shalt  }
0x7d: {  	_ =	shalt  }
0x7e: {  	_ =	shalt  }
0x7f: {  	_ =	shalt  }
0x80: {  	_ =	shalt  }
0x81: {  	_ =	shalt  }
0x82: {  	_ =	shalt  }
0x83: {  	_ =	shalt  }
0x84: {  	_ =	shalt  }
0x85: {  	_ =	shalt  }
0x86: {  	_ =	shalt  }
0x87: {  	_ =	shalt  }
.Lfunc_end0:
.L_simem_size_0:
called_computation.1_lowered:
.L_overlay_start_0:
0x88: {  	s2 =	sld [smem:$0x3FD9]  }
0x89: {  	s3 =	sld [smem:$0x3FFE];
	_ =	sdelay $0x1  }
0x8a: {  	s1 =	srdreg.scid  }
0x8b: {  	s0 =	sand.u32 $0x1, s1  }
0x8c: {  	s16 =	sshll.u32 s0, $0xA;
	s2 =	sadd.s32 s3, s2  }
0x8d: {  	s2 =	sadd.s32 s2, s16  }
0x8e: {  	[smem:$0x3FB9] =	sst s2  }
0x8f: {  	_ = 	snop  }
0x90: {  	(tm) =	ssettm $0x1  }
0x91: {  	s17 =	sld [smem:$0x3FFB];
	_ =	sdelay $0x3  }
0x92: {  	_ =	strace s17  }
0x93: {  	s2 =	sld [smem:$0x3FFC];
	_ =	sdelay $0x3  }
0x94: {  	_ =	strace s2  }
0x95: {  	s2 =	sld [smem:$0x3FFD];
	_ =	sdelay $0x3  }
0x96: {  	_ =	strace s2  }
0x97: {  	_ =	strace $0x8FFFFFFF  }
0x98: {  	s18 =	sld [smem:$0x3FDB];
	_ =	sdelay $0x1  }
0x99: {  	s19 =	simm.s32 $_scs_section_size  }
0x9a: {  	s4 =	simm.s32 $_size__tile_overlayer_lowered;
	s5 =	simm.s32 $_tile_overlayer_lowered  }
0x9b: {  	s22 =	simm.s32 $0x1BFF;
	s21 =	sshll.u32 s5, $0x1;
	s2 =	sadd.s32 s19, s18  }
0x9c: {  	s6 =	simm.s32 $0x0;
	s20 =	sshll.u32 s4, $0x1;
	s4 =	sadd.s32 s21, s2  }
0x9d: {  	[timem:s6], [sflag:s22] =	dma.local [hbm:s4], s20  }
0x9e: {  	_ =	swait.ge [sflag:s22], s20  }
0x9f: {  	s3 =	ssub.s32 $0x0, s20;
	[sflag:s22] =	ssyncset.done $0x0  }
0xa0: {  	[sflag:s22] =	ssyncadd.s32 s3;
	_ =	sdelay $0x1  }
0xa1: {  	s23 =	simm.s32 $0x1B8B  }
0xa2: {  	_ =	swait.ge [sflag:s23], $0x1  }
0xa3: {  	[sflag:s23] =	ssyncset.done $0x0  }
0xa4: {  	s25 =	simm.s32 $0x1B8E;
	s24 =	sld [smem:$0x3FFE];
	[sflag:s23] =	ssyncadd.s32 $0xFFFFFFFF  }
0xa5: {  	s26 =	simm.s32 $execute0_lowered;
	[smem:$0x3FD2] =	sst s25  }
0xa6: {  	s4 =	sshll.u32 s26, $0x1;
	_ =	strace $0x80000049;
	[dreg:$0x1] =	wrdreg $0xFFFFFFFF  }
0xa7: {  	s28 =	simm.s32 $_size_execute0_lowered;
	s2 =	sadd.s32 s2, s4;
	[dreg:$0x0] =	wrdreg $0x0  }
0xa8: {  	s4 =	sshll.u32 s28, $0x1;
	[dreg:$0x2] =	wrdreg s2  }
0xa9: {  	[dreg:$0x3] =	wrdreg s4  }
0xaa: {  	[dreg:$0x4] =	wrdreg $0xC0  }
0xab: {  	_ =	task [dreg:s6], $0x5FFFF  }
0xac: {  	[dreg:$0x1] =	wrdreg $0xFFFFFFFF  }
0xad: {  	[dreg:$0x0] =	wrdreg $0x60  }
0xae: {  	[dreg:$0x2] =	wrdreg s24  }
0xaf: {  	[dreg:$0x3] =	wrdreg $0x90000  }
0xb0: {  	[dreg:$0x4] =	wrdreg $0x9  }
0xb1: {  	_ =	task.clear_ibuf [dreg:s6], $0x5FFFF;
	_ =	strace $0x90000049  }
0xb2: {  	s29 =	simm.s32 $0x9;
	_ =	strace $0x8000004B  }
0xb3: {  	_ =	swait.ge [sflag:s29], $0x1  }
0xb4: {  	[sflag:s29] =	ssyncadd.s32 $0xFFFFFFFF  }
0xb5: {  	_ =	strace $0x9000004B  }
0xb6: {  	_ =	sfence  }
0xb7: {  	s30 =	sld [smem:$0x0];
	_ =	sdelay $0x2  }
0xb8: {  	s31 =	sshll.u32 s1, $0xD;
	s1 =	sshrl.u32 s1, $0x2  }
0xb9: {  	s3 =	sand.u32 $0x4000, s31;
	s1 =	sadd.s32 s1, s30  }
0xba: {  	s0 =	sor.u32 s3, s0;
	s1 =	sshll.u32 s1, $0x11  }
0xbb: {  	s0 =	sor.u32 s1, s0  }
0xbc: {  	s0 =	sadd.s32 $0x8F2B, s0  }
0xbd: {  	[sflag:s0] =	ssyncadd.remote.s32 $0x1  }
0xbe: {  	_ =	sfence.sel $0xFFFF  }
0xbf: {  	[dreg:$0x0] =	wrdreg $0xFFFFFFFF;
	(pc) =	sbr.abs _section_cstart, $3  }
0xc0: {  	[dreg:$0x1] =	wrdreg $0xFFFFFFFF  }
0xc1: {  	_ =	task.clear_ibuf [dreg:s6], $0x2FFFF;
	_ =	strace $0x9FFFFFFF  }
0xc2: {  	(tm) =	ssettm $0x7FFFFFFF  }
0xc3: {  	_ =	shalt  }
tec
execute0_lowered:
.L_overlay_start_1:
0x0: {  	(tag) =	ssettag $0x1  }
0x1: {  	s1 =	srdreg.scid;
	s5 =	rddreg [dreg:$0x0]  }
0x2: {  	s0 =	stileid.u32;
	s2 =	rddreg [dreg:$0x1];
	s3 =	simm.s32 $0x0  }
0x3: {  	s14 =	simm.s32 $0x80;
	s15 =	simm.s32 $0x5000;
	s16 =	simm.s32 $0x1  }
0x4: {  	s17 =	simm.s32 $0x0;
	s6 =	sand.u32 $0x1, s1;
	s1 =	rddreg [dreg:$0x2]  }
0x5: {  	s30 =	sshll.u32 s0, $0x1;
	[smem:$0x7FF] =	sst s3;
	s8 =	smul.u32 $0x14000, s0  }
0x6: {  	s31 =	smul.u32 $0x50000, s0;
	s12 =	sshll.u32 s0, $0x6;
	s4 =	sor.u32 s6, s30  }
0x7: {  	_ =	strace $0x8000004A;
	s9 =	smul.u32 $0x140000, s6;
	s6 =	ssub.s32 $0x2, s6  }
0x8: {  	s12 =	sor.u32 $0x1C02, s12;
	s7 =	smul.u32 $0x500, s4;
	s4 =	sadd.s32 $0x36C00, s5  }
0x9: {  	s10 =	sshrl.u32 s8, $0x3;
	s11 =	sshrl.u32 s6, $0x1;
	s8 =	sadd.s32 s8, s9  }
0xa: {  	s10 =	sadd.s32 s10, s5;
	s11 =	ssub.s32 s6, s11;
	s9 =	sshrl.u32 s31, $0x2  }
0xb: {  	s7 =	sadd.s32 s7, s5;
	s8 =	sshrl.u32 s8, $0x3;
	s13 =	sadd.s32 s9, s2  }
0xc: {  	s9 =	smax.u32 s11, $0x1;
	s11 =	simm.s32 $0x2800;
	s8 =	sadd.s32 s8, s5  }
0xd: {  	s5 =	sadd.s32 $0x87400, s7;
	s6 =	sadd.s32 $0x4C00, s7;
	s7 =	sadd.s32 $0xEC00, s10  }
0xe: {  	s10 =	simm.s32 $0x2;
	s13 =	sshrl.u32 s13, $0x3;
	s8 =	sadd.s32 $0x91400, s8  }
.LBB2_1:
0xf: {  	[tilespmem:s3], [sflag:$0x2] =	stream.linear.gather [hbm4b:s5+s3], $0x2780, $0x38;
	[tilespmem:$0x1D000] =	vst v63  }
0x10: {  	_ =	swait.ge [sflag:s10], $0x2780  }
0x11: {  	[sflag:s10] =	ssyncset.done $0x0  }
0x12: {  	[sflag:s10] =	ssyncadd.s32 $0xFFFFD880  }
0x13: {  	[tilespmem:s11], [sflag:$0x2] =	stream.linear.gather [hbm4b:s6+s3], $0x2780, $0x38;
	[tilespmem:$0x1D000] =	vst v63  }
0x14: {  	_ =	swait.ge [sflag:s10], $0x2780  }
0x15: {  	[sflag:s10] =	ssyncset.done $0x0  }
0x16: {  	[sflag:s10] =	ssyncadd.s32 $0xFFFFD880  }
0x17: {  	[spmem:s13], [sflag:s12] =	dma.local [hbm:s7], $0x2800  }
0x18: {  	_ =	swait.ge [sflag:s10], $0x2800  }
0x19: {  	[sflag:s10] =	ssyncset.done $0x0  }
0x1a: {  	[sflag:s10] =	ssyncadd.s32 $0xFFFFD800  }
0x1b: {  	s18 =	simm.s32 $0x0;
	[bflag:$0x0] =	sbarrier.arrive $0xFFFF  }
0x1c: {  	[tilespmem:s15], [sflag:$0x1] =	stream.indirect.gather [hbm4b:s4+s14], $0x80, s18, s14, $0xb8;
	[tilespmem:$0x1D000] =	vst v63  }
0x1d: {  	_ =	swait.ge [sflag:s16], $0x4000  }
0x1e: {  	[sflag:s16] =	ssyncset.done $0x0  }
0x1f: {  	s31 =	simm.s32 $0x2800;
	[sflag:s16] =	ssyncadd.s32 $0xFFFFC000  }
0x20: {  	[spmem:s2] =	stream.indirect.scatter.add.f32 [tilespmem:s15], [sflag:$0x2], $0x80, s31, s14, $0xb8;
	[tilespmem:$0x1D000] =	vst v63  }
0x21: {  	_ =	swait.ge [sflag:s10], $0x4000  }
0x22: {  	s19 =	simm.s32 $0x400;
	s18 =	simm.s32 $0x200;
	[sflag:s10] =	ssyncset.done $0x0  }
.LBB2_2:
0x23: {  	s20 =	sshra.s32 s18, $0x2  }
0x24: {  	[sflag:s10] =	ssyncadd.s32 $0xFFFFC000;
	s18 =	smov.u32 s19;
	s21 =	sadd.s32 $0x200, s19  }
0x25: {  	[tilespmem:s15], [sflag:$0x1] =	stream.indirect.gather [hbm4b:s4+s14], $0x80, s20, s14, $0xb8;
	[tilespmem:$0x1D000] =	vst v63  }
0x26: {  	p0 =	sne.s32 s19, $0x9C00;
	_ =	swait.ge [sflag:s16], $0x4000  }
.Ltmp0:
0x27: {  	[sflag:s16] =	ssyncset.done $0x0;
	(pc) =	sbr.rel @p0 .LBB2_2-.Ltmp0, $4  }
0x28: {  	s19 =	sadd.s32 $0x2800, s20;
	[sflag:s16] =	ssyncadd.s32 $0xFFFFC000  }
0x29: {  	[spmem:s2] =	stream.indirect.scatter.add.f32 [tilespmem:s15], [sflag:$0x2], $0x80, s19, s14, $0xb8;
	[tilespmem:$0x1D000] =	vst v63  }
0x2a: {  	_ =	swait.ge [sflag:s10], $0x4000  }
0x2b: {  	s19 =	smov.u32 s21;
	[sflag:s10] =	ssyncset.done $0x0  }
0x2c: {  	s18 =	sshra.s32 s18, $0x2;
	[sflag:s10] =	ssyncadd.s32 $0xFFFFC000  }
0x2d: {  	[tilespmem:s15], [sflag:$0x1] =	stream.indirect.gather [hbm4b:s4+s14], $0x80, s18, s14, $0xb8;
	[tilespmem:$0x1D000] =	vst v63  }
0x2e: {  	_ =	swait.ge [sflag:s16], $0x4000  }
0x2f: {  	[sflag:s16] =	ssyncset.done $0x0  }
0x30: {  	s18 =	sadd.s32 $0x2800, s18;
	[sflag:s16] =	ssyncadd.s32 $0xFFFFC000  }
0x31: {  	[spmem:s2] =	stream.indirect.scatter.add.f32 [tilespmem:s15], [sflag:$0x2], $0x80, s18, s14, $0xb8;
	[tilespmem:$0x1D000] =	vst v63  }
0x32: {  	_ =	swait.ge [sflag:s10], $0x4000  }
0x33: {  	s17 =	sadd.s32 $0x1, s17;
	[sflag:s10] =	ssyncset.done $0x0  }
0x34: {  	p0 =	sne.s32 s17, s9;
	[sflag:s10] =	ssyncadd.s32 $0xFFFFC000  }
.Ltmp1:
0x35: {  	[bflag:$0x0] =	sbarrier.arrive $0xFFFF;
	(pc) =	sbr.rel @p0 .LBB2_1-.Ltmp1, $4  }
0x36: {  	[hbm:s8], [sflag:s12] =	dma.local [spmem:s13], $0x2800  }
0x37: {  	_ =	swait.ge [sflag:s10], $0x2800  }
0x38: {  	[sflag:s10] =	ssyncset.done $0x0  }
0x39: {  	[sflag:s10] =	ssyncadd.s32 $0xFFFFD800  }
0x3a: {  	_ =	sfence.sel $0x180000  }
0x3b: {  	[bflag:$0x0] =	sbarrier.arrive $0xFFFF  }
0x3c: {  	p0 =	sne.s32 s0, $0x0;
	_ =	strace $0x9000004A  }
0x3d: {  	s0 =	sadd.s32 @!p0 $0x100000, s1;
	[bflag:$0x2] =	sbarrier.arrive $0xFFFF  }
0x3e: {  	[sflag:s0] =	ssyncadd.tile.s32 @!p0 $0x1;
	_ =	shalt  }
.Lfunc_end2:
_tile_overlayer_lowered:
.L_overlay_start_2:
0x3f: {  	(tag) =	ssettag $0x2  }
0x40: {  	s0 =	rddreg [dreg:$0x0];
	s2 =	stileid.u32  }
0x41: {  	s1 =	rddreg [dreg:$0x1];
	p0 =	sne.s32 s2, $0x0  }
0x42: {  	s3 =	rddreg [dreg:$0x2];
	[bflag:$0x3] =	sbarrier.arrive $0xFFFF;
	s2 =	simm.s32 @!p0 $0x1C02  }
0x43: {  	[timem:s3], [sflag:s2] =	dma.local @!p0 [hbm:s0], s1  }
0x44: {  	s0 =	simm.s32 @!p0 $0x2  }
0x45: {  	_ =	swait.ge @!p0 [sflag:s0], s1  }
0x46: {  	s1 =	ssub.s32 @!p0 $0x0, s1;
	[sflag:s0] =	ssyncset.done @!p0 $0x0  }
0x47: {  	[sflag:s0] =	ssyncadd.s32 @!p0 s1  }
0x48: {  	[bflag:$0x3] =	sbarrier.arrive $0xFFFF  }
0x49: {  	_ =	shalt  }

// kernel: kernel.19.cloned.1.call-start
scs
__scs_entry_jumppad:
0x0: {  	(pc) =	sbr.rel $0x88, $3  }
0x1: {  	(tag) =	ssettag $0x0;
	lr =	simm.s32 $0x1  }
0x2: {  	[smem:$0x3F92] =	sst lr;
	_ =	strace $0xD0000000  }
0x3: {  	_ = 	snop  }
0x4: {  	_ = 	snop  }
0x5: {  	_ = 	snop  }
0x6: {  	_ = 	snop  }
0x7: {  	_ = 	snop  }
__scs_overlays_trampoline_lowered:
0x8: {  	[smem:$0x3FA1] =	sst s0  }
0x9: {  	[smem:$0x3FA2] =	sst s1  }
0xa: {  	[smem:$0x3FA3] =	sst s2  }
0xb: {  	[smem:$0x3FA4] =	sst s3  }
0xc: {  	[smem:$0x3FA5] =	sst s4  }
0xd: {  	[smem:$0x3FA6] =	sst s5  }
0xe: {  	[smem:$0x3FA7] =	sst s6  }
0xf: {  	[smem:$0x3FA8] =	sst s7  }
0x10: {  	[smem:$0x3FA9] =	sst s8  }
0x11: {  	[smem:$0x3FAA] =	sst s9;
	s0 =	simm.s32 @!p0 $0x0  }
0x12: {  	s1 =	sld [smem:$0x3F90];
	s0 =	simm.s32 @p0 $0x1  }
0x13: {  	[smem:$0x3FAB] =	sst s0;
	s0 =	simm.s32 @!p1 $0x0  }
0x14: {  	s2 =	sld [smem:$0x3F8F];
	s0 =	simm.s32 @p1 $0x1  }
0x15: {  	[smem:$0x3FAC] =	sst s0;
	s0 =	simm.s32 @!p2 $0x0  }
0x16: {  	s3 =	sld [smem:$0x3FDB];
	s0 =	simm.s32 @p2 $0x1  }
0x17: {  	s4 =	simm.s32 $0x1BF5;
	[smem:$0x3FAE] =	sst s0  }
0x18: {  	s0 =	sld [smem:$0x3F91];
	_ =	swait.ge [sflag:s4], $0x0  }
0x19: {  	s7 =	sld [smem:$0x3F92]  }
0x1a: {  	s8 =	sadd.s32 $0xFFFFE003, lr  }
0x1b: {  	s9 =	sadd.s32 $0xFFFFFEF7, lr;
	s5 =	simm.s32 $0xFFFFFFFF;
	p2 =	slt.u32 s8, $0xFFFFF086  }
0x1c: {  	p1 =	slt.u32 s9, $0xF7A;
	s5 =	simm.s32 @!p2 $0x0  }
0x1d: {  	s5 =	simm.s32 @p1 $0x1;
	p0 =	seq.s32 s7, s2  }
0x1e: {  	s7 =	smul.u32 @!p0 $0xF7A, s2;
	p2 =	seq.s32 @!p0 s5, $0x0  }
0x1f: {  	s9 =	smul.u32 $0xF7A, s1;
	s8 =	simm.s32 @!p0 $0x1BF5;
	p2 =	por !p2, p0  }
0x20: {  	[sflag:s8] =	ssyncset.s32 @!p0 $0xFFFFF086;
	s6 =	sadd.s32 @!p0 s3, s7;
	s7 =	simm.s32 @!p0 $0x108  }
0x21: {  	s3 =	sadd.s32 s3, s9;
	s6 =	sadd.s32 @!p0 $0x88, s6;
	s7 =	simm.s32 @p2 $0x1082  }
0x22: {  	[simem:s7], [sflag:s8] =	dma.local @!p0 [hbm:s6], $0xF7A  }
0x23: {  	s9 =	sor.u32 $0xD0000000, s2;
	s6 =	simm.s32 $0x108;
	_ =	swait.ge @!p0 [sflag:s8], $0x0  }
0x24: {  	s3 =	sadd.s32 $0x88, s3;
	s6 =	simm.s32 @!p1 $0x1082;
	[sflag:s4] =	ssyncset.s32 $0xFFFFF086  }
0x25: {  	[simem:s6], [sflag:s4] =	dma.local [hbm:s3], $0xF7A  }
0x26: {  	[smem:$0x3F92] =	sst s1;
	(tag) =	ssettag s2;
	_ =	strace s9  }
0x27: {  	s1 =	sld [smem:$0x3FA2]  }
0x28: {  	s2 =	sld [smem:$0x3FA3]  }
0x29: {  	s4 =	sld [smem:$0x3FA5]  }
0x2a: {  	p0 =	seq.s32 s5, $0x0;
	s5 =	sld [smem:$0x3FA6]  }
0x2b: {  	s6 =	sld [smem:$0x3FA7]  }
0x2c: {  	s7 =	sld [smem:$0x3FA8]  }
0x2d: {  	s3 =	simm.s32 $0x108;
	s8 =	sld [smem:$0x3FA9]  }
0x2e: {  	s3 =	simm.s32 @!p0 $0x1082;
	s9 =	sld [smem:$0x3FAA]  }
0x2f: {  	lr =	sadd.s32 s0, s3;
	s0 =	sld [smem:$0x3FA1]  }
0x30: {  	s3 =	sld [smem:$0x3FA4]  }
0x31: {  	[smem:$0x3FAD] =	sst s10  }
0x32: {  	s10 =	sld [smem:$0x3FAB];
	_ =	sdelay $0x3  }
0x33: {  	p0 =	seq.s32 s10, $0x1;
	s10 =	sld [smem:$0x3FAD];
	_ =	sdelay $0x3  }
0x34: {  	[smem:$0x3FAD] =	sst s10  }
0x35: {  	s10 =	sld [smem:$0x3FAC];
	_ =	sdelay $0x3  }
0x36: {  	p1 =	seq.s32 s10, $0x1;
	s10 =	sld [smem:$0x3FAD];
	_ =	sdelay $0x3  }
0x37: {  	[smem:$0x3FAD] =	sst s10  }
0x38: {  	s10 =	sld [smem:$0x3FAE]  }
0x39: {  	_ = 	snop;
	(pc) =	sbr.ind lr, $3  }
0x3a: {  	_ = 	snop  }
0x3b: {  	_ = 	snop  }
0x3c: {  	p2 =	seq.s32 s10, $0x1;
	s10 =	sld [smem:$0x3FAD]  }
0x3d: {  	_ =	shalt  }
0x3e: {  	_ =	shalt  }
0x3f: {  	_ =	shalt  }
0x40: {  	_ =	shalt  }
0x41: {  	_ =	shalt  }
0x42: {  	_ =	shalt  }
0x43: {  	_ =	shalt  }
0x44: {  	_ =	shalt  }
0x45: {  	_ =	shalt  }
0x46: {  	_ =	shalt  }
0x47: {  	_ =	shalt  }
0x48: {  	_ =	shalt  }
0x49: {  	_ =	shalt  }
0x4a: {  	_ =	shalt  }
0x4b: {  	_ =	shalt  }
0x4c: {  	_ =	shalt  }
0x4d: {  	_ =	shalt  }
0x4e: {  	_ =	shalt  }
0x4f: {  	_ =	shalt  }
0x50: {  	_ =	shalt  }
0x51: {  	_ =	shalt  }
0x52: {  	_ =	shalt  }
0x53: {  	_ =	shalt  }
0x54: {  	_ =	shalt  }
0x55: {  	_ =	shalt  }
0x56: {  	_ =	shalt  }
0x57: {  	_ =	shalt  }
0x58: {  	_ =	shalt  }
0x59: {  	_ =	shalt  }
0x5a: {  	_ =	shalt  }
0x5b: {  	_ =	shalt  }
0x5c: {  	_ =	shalt  }
0x5d: {  	_ =	shalt  }
0x5e: {  	_ =	shalt  }
0x5f: {  	_ =	shalt  }
0x60: {  	_ =	shalt  }
0x61: {  	_ =	shalt  }
0x62: {  	_ =	shalt  }
0x63: {  	_ =	shalt  }
0x64: {  	_ =	shalt  }
0x65: {  	_ =	shalt  }
0x66: {  	_ =	shalt  }
0x67: {  	_ =	shalt  }
0x68: {  	_ =	shalt  }
0x69: {  	_ =	shalt  }
0x6a: {  	_ =	shalt  }
0x6b: {  	_ =	shalt  }
0x6c: {  	_ =	shalt  }
0x6d: {  	_ =	shalt  }
0x6e: {  	_ =	shalt  }
0x6f: {  	_ =	shalt  }
0x70: {  	_ =	shalt  }
0x71: {  	_ =	shalt  }
0x72: {  	_ =	shalt  }
0x73: {  	_ =	shalt  }
0x74: {  	_ =	shalt  }
0x75: {  	_ =	shalt  }
0x76: {  	_ =	shalt  }
0x77: {  	_ =	shalt  }
0x78: {  	_ =	shalt  }
0x79: {  	_ =	shalt  }
0x7a: {  	_ =	shalt  }
0x7b: {  	_ =	shalt  }
0x7c: {  	_ =	shalt  }
0x7d: {  	_ =	shalt  }
0x7e: {  	_ =	shalt  }
0x7f: {  	_ =	shalt  }
0x80: {  	_ =	shalt  }
0x81: {  	_ =	shalt  }
0x82: {  	_ =	shalt  }
0x83: {  	_ =	shalt  }
0x84: {  	_ =	shalt  }
0x85: {  	_ =	shalt  }
0x86: {  	_ =	shalt  }
0x87: {  	_ =	shalt  }
.Lfunc_end0:
.L_simem_size_0:
called_computation.2_lowered:
.L_overlay_start_0:
0x88: {  	s2 =	sld [smem:$0x3FD9]  }
0x89: {  	s3 =	sld [smem:$0x3FFE];
	_ =	sdelay $0x1  }
0x8a: {  	s1 =	srdreg.scid  }
0x8b: {  	s0 =	sand.u32 $0x1, s1  }
0x8c: {  	s16 =	sshll.u32 s0, $0xA;
	s2 =	sadd.s32 s3, s2  }
0x8d: {  	s2 =	sadd.s32 s2, s16  }
0x8e: {  	[smem:$0x3FB9] =	sst s2  }
0x8f: {  	_ = 	snop  }
0x90: {  	(tm) =	ssettm $0x1  }
0x91: {  	s17 =	sld [smem:$0x3FFB];
	_ =	sdelay $0x3  }
0x92: {  	_ =	strace s17  }
0x93: {  	s2 =	sld [smem:$0x3FFC];
	_ =	sdelay $0x3  }
0x94: {  	_ =	strace s2  }
0x95: {  	s2 =	sld [smem:$0x3FFD];
	_ =	sdelay $0x3  }
0x96: {  	_ =	strace s2  }
0x97: {  	_ =	strace $0x8FFFFFFF  }
0x98: {  	s18 =	sld [smem:$0x3FDB];
	_ =	sdelay $0x1  }
0x99: {  	s19 =	simm.s32 $_scs_section_size  }
0x9a: {  	s4 =	simm.s32 $_size__tile_overlayer_lowered;
	s5 =	simm.s32 $_tile_overlayer_lowered  }
0x9b: {  	s22 =	simm.s32 $0x1BFF;
	s21 =	sshll.u32 s5, $0x1;
	s2 =	sadd.s32 s19, s18  }
0x9c: {  	s6 =	simm.s32 $0x0;
	s20 =	sshll.u32 s4, $0x1;
	s4 =	sadd.s32 s21, s2  }
0x9d: {  	[timem:s6], [sflag:s22] =	dma.local [hbm:s4], s20  }
0x9e: {  	_ =	swait.ge [sflag:s22], s20  }
0x9f: {  	s3 =	ssub.s32 $0x0, s20;
	[sflag:s22] =	ssyncset.done $0x0  }
0xa0: {  	[sflag:s22] =	ssyncadd.s32 s3;
	_ =	sdelay $0x1  }
0xa1: {  	s23 =	simm.s32 $0x1B8B  }
0xa2: {  	_ =	swait.ge [sflag:s23], $0x1  }
0xa3: {  	[sflag:s23] =	ssyncset.done $0x0  }
0xa4: {  	s25 =	simm.s32 $0x1B8E;
	s24 =	sld [smem:$0x3FFE];
	[sflag:s23] =	ssyncadd.s32 $0xFFFFFFFF  }
0xa5: {  	s26 =	simm.s32 $execute0_lowered;
	[smem:$0x3FD2] =	sst s25  }
0xa6: {  	s4 =	sshll.u32 s26, $0x1;
	_ =	strace $0x8000004C;
	[dreg:$0x1] =	wrdreg $0xFFFFFFFF  }
0xa7: {  	s28 =	simm.s32 $_size_execute0_lowered;
	s2 =	sadd.s32 s2, s4;
	[dreg:$0x0] =	wrdreg $0x0  }
0xa8: {  	s4 =	sshll.u32 s28, $0x1;
	[dreg:$0x2] =	wrdreg s2  }
0xa9: {  	[dreg:$0x3] =	wrdreg s4  }
0xaa: {  	[dreg:$0x4] =	wrdreg $0xC0  }
0xab: {  	_ =	task [dreg:s6], $0x5FFFF  }
0xac: {  	[dreg:$0x1] =	wrdreg $0xFFFFFFFF  }
0xad: {  	[dreg:$0x0] =	wrdreg $0x60  }
0xae: {  	[dreg:$0x2] =	wrdreg s24  }
0xaf: {  	[dreg:$0x3] =	wrdreg $0x90000  }
0xb0: {  	[dreg:$0x4] =	wrdreg $0x9  }
0xb1: {  	_ =	task.clear_ibuf [dreg:s6], $0x5FFFF;
	_ =	strace $0x9000004C  }
0xb2: {  	s29 =	simm.s32 $0x9;
	_ =	strace $0x8000004E  }
0xb3: {  	_ =	swait.ge [sflag:s29], $0x1  }
0xb4: {  	[sflag:s29] =	ssyncadd.s32 $0xFFFFFFFF  }
0xb5: {  	_ =	strace $0x9000004E  }
0xb6: {  	_ =	sfence  }
0xb7: {  	s30 =	sld [smem:$0x0];
	_ =	sdelay $0x2  }
0xb8: {  	s31 =	sshll.u32 s1, $0xD;
	s1 =	sshrl.u32 s1, $0x2  }
0xb9: {  	s3 =	sand.u32 $0x4000, s31;
	s1 =	sadd.s32 s1, s30  }
0xba: {  	s0 =	sor.u32 s3, s0;
	s1 =	sshll.u32 s1, $0x11  }
0xbb: {  	s0 =	sor.u32 s1, s0  }
0xbc: {  	s0 =	sadd.s32 $0x8F2B, s0  }
0xbd: {  	[sflag:s0] =	ssyncadd.remote.s32 $0x1  }
0xbe: {  	_ =	sfence.sel $0xFFFF  }
0xbf: {  	[dreg:$0x0] =	wrdreg $0xFFFFFFFF;
	(pc) =	sbr.abs _section_cstart, $3  }
0xc0: {  	[dreg:$0x1] =	wrdreg $0xFFFFFFFF  }
0xc1: {  	_ =	task.clear_ibuf [dreg:s6], $0x2FFFF;
	_ =	strace $0x9FFFFFFF  }
0xc2: {  	(tm) =	ssettm $0x7FFFFFFF  }
0xc3: {  	_ =	shalt  }
tec
execute0_lowered:
.L_overlay_start_1:
0x0: {  	(tag) =	ssettag $0x1  }
0x1: {  	s1 =	srdreg.scid;
	s5 =	rddreg [dreg:$0x0]  }
0x2: {  	s0 =	stileid.u32;
	s2 =	rddreg [dreg:$0x1];
	s3 =	simm.s32 $0x0  }
0x3: {  	s14 =	simm.s32 $0x80;
	s15 =	simm.s32 $0x5000;
	s16 =	simm.s32 $0x1  }
0x4: {  	s17 =	simm.s32 $0x0;
	s6 =	sand.u32 $0x1, s1;
	s1 =	rddreg [dreg:$0x2]  }
0x5: {  	s30 =	sshll.u32 s0, $0x1;
	[smem:$0x7FF] =	sst s3;
	s8 =	smul.u32 $0x14000, s0  }
0x6: {  	s31 =	smul.u32 $0x50000, s0;
	s12 =	sshll.u32 s0, $0x6;
	s4 =	sor.u32 s6, s30  }
0x7: {  	_ =	strace $0x8000004D;
	s9 =	smul.u32 $0x140000, s6;
	s6 =	ssub.s32 $0x2, s6  }
0x8: {  	s12 =	sor.u32 $0x1C02, s12;
	s7 =	smul.u32 $0x500, s4;
	s4 =	sadd.s32 $0x36C00, s5  }
0x9: {  	s10 =	sshrl.u32 s8, $0x3;
	s11 =	sshrl.u32 s6, $0x1;
	s8 =	sadd.s32 s8, s9  }
0xa: {  	s10 =	sadd.s32 s10, s5;
	s11 =	ssub.s32 s6, s11;
	s9 =	sshrl.u32 s31, $0x2  }
0xb: {  	s7 =	sadd.s32 s7, s5;
	s8 =	sshrl.u32 s8, $0x3;
	s13 =	sadd.s32 s9, s2  }
0xc: {  	s9 =	smax.u32 s11, $0x1;
	s11 =	simm.s32 $0x2800;
	s8 =	sadd.s32 s8, s5  }
0xd: {  	s5 =	sadd.s32 $0x87400, s7;
	s6 =	sadd.s32 $0x4C00, s7;
	s7 =	sadd.s32 $0xEC00, s10  }
0xe: {  	s10 =	simm.s32 $0x2;
	s13 =	sshrl.u32 s13, $0x3;
	s8 =	sadd.s32 $0x91400, s8  }
.LBB2_1:
0xf: {  	[tilespmem:s3], [sflag:$0x2] =	stream.linear.gather [hbm4b:s5+s3], $0x2780, $0x38;
	[tilespmem:$0x1D000] =	vst v63  }
0x10: {  	_ =	swait.ge [sflag:s10], $0x2780  }
0x11: {  	[sflag:s10] =	ssyncset.done $0x0  }
0x12: {  	[sflag:s10] =	ssyncadd.s32 $0xFFFFD880  }
0x13: {  	[tilespmem:s11], [sflag:$0x2] =	stream.linear.gather [hbm4b:s6+s3], $0x2780, $0x38;
	[tilespmem:$0x1D000] =	vst v63  }
0x14: {  	_ =	swait.ge [sflag:s10], $0x2780  }
0x15: {  	[sflag:s10] =	ssyncset.done $0x0  }
0x16: {  	[sflag:s10] =	ssyncadd.s32 $0xFFFFD880  }
0x17: {  	[spmem:s13], [sflag:s12] =	dma.local [hbm:s7], $0x2800  }
0x18: {  	_ =	swait.ge [sflag:s10], $0x2800  }
0x19: {  	[sflag:s10] =	ssyncset.done $0x0  }
0x1a: {  	[sflag:s10] =	ssyncadd.s32 $0xFFFFD800  }
0x1b: {  	s18 =	simm.s32 $0x0;
	[bflag:$0x0] =	sbarrier.arrive $0xFFFF  }
0x1c: {  	[tilespmem:s15], [sflag:$0x1] =	stream.indirect.gather [hbm4b:s4+s14], $0x80, s18, s14, $0xb8;
	[tilespmem:$0x1D000] =	vst v63  }
0x1d: {  	_ =	swait.ge [sflag:s16], $0x4000  }
0x1e: {  	[sflag:s16] =	ssyncset.done $0x0  }
0x1f: {  	s31 =	simm.s32 $0x2800;
	[sflag:s16] =	ssyncadd.s32 $0xFFFFC000  }
0x20: {  	[spmem:s2] =	stream.indirect.scatter.add.f32 [tilespmem:s15], [sflag:$0x2], $0x80, s31, s14, $0xb8;
	[tilespmem:$0x1D000] =	vst v63  }
0x21: {  	_ =	swait.ge [sflag:s10], $0x4000  }
0x22: {  	s19 =	simm.s32 $0x400;
	s18 =	simm.s32 $0x200;
	[sflag:s10] =	ssyncset.done $0x0  }
.LBB2_2:
0x23: {  	s20 =	sshra.s32 s18, $0x2  }
0x24: {  	[sflag:s10] =	ssyncadd.s32 $0xFFFFC000;
	s18 =	smov.u32 s19;
	s21 =	sadd.s32 $0x200, s19  }
0x25: {  	[tilespmem:s15], [sflag:$0x1] =	stream.indirect.gather [hbm4b:s4+s14], $0x80, s20, s14, $0xb8;
	[tilespmem:$0x1D000] =	vst v63  }
0x26: {  	p0 =	sne.s32 s19, $0x9C00;
	_ =	swait.ge [sflag:s16], $0x4000  }
.Ltmp0:
0x27: {  	[sflag:s16] =	ssyncset.done $0x0;
	(pc) =	sbr.rel @p0 .LBB2_2-.Ltmp0, $4  }
0x28: {  	s19 =	sadd.s32 $0x2800, s20;
	[sflag:s16] =	ssyncadd.s32 $0xFFFFC000  }
0x29: {  	[spmem:s2] =	stream.indirect.scatter.add.f32 [tilespmem:s15], [sflag:$0x2], $0x80, s19, s14, $0xb8;
	[tilespmem:$0x1D000] =	vst v63  }
0x2a: {  	_ =	swait.ge [sflag:s10], $0x4000  }
0x2b: {  	s19 =	smov.u32 s21;
	[sflag:s10] =	ssyncset.done $0x0  }
0x2c: {  	s18 =	sshra.s32 s18, $0x2;
	[sflag:s10] =	ssyncadd.s32 $0xFFFFC000  }
0x2d: {  	[tilespmem:s15], [sflag:$0x1] =	stream.indirect.gather [hbm4b:s4+s14], $0x80, s18, s14, $0xb8;
	[tilespmem:$0x1D000] =	vst v63  }
0x2e: {  	_ =	swait.ge [sflag:s16], $0x4000  }
0x2f: {  	[sflag:s16] =	ssyncset.done $0x0  }
0x30: {  	s18 =	sadd.s32 $0x2800, s18;
	[sflag:s16] =	ssyncadd.s32 $0xFFFFC000  }
0x31: {  	[spmem:s2] =	stream.indirect.scatter.add.f32 [tilespmem:s15], [sflag:$0x2], $0x80, s18, s14, $0xb8;
	[tilespmem:$0x1D000] =	vst v63  }
0x32: {  	_ =	swait.ge [sflag:s10], $0x4000  }
0x33: {  	s17 =	sadd.s32 $0x1, s17;
	[sflag:s10] =	ssyncset.done $0x0  }
0x34: {  	p0 =	sne.s32 s17, s9;
	[sflag:s10] =	ssyncadd.s32 $0xFFFFC000  }
.Ltmp1:
0x35: {  	[bflag:$0x0] =	sbarrier.arrive $0xFFFF;
	(pc) =	sbr.rel @p0 .LBB2_1-.Ltmp1, $4  }
0x36: {  	[hbm:s8], [sflag:s12] =	dma.local [spmem:s13], $0x2800  }
0x37: {  	_ =	swait.ge [sflag:s10], $0x2800  }
0x38: {  	[sflag:s10] =	ssyncset.done $0x0  }
0x39: {  	[sflag:s10] =	ssyncadd.s32 $0xFFFFD800  }
0x3a: {  	_ =	sfence.sel $0x180000  }
0x3b: {  	[bflag:$0x0] =	sbarrier.arrive $0xFFFF  }
0x3c: {  	p0 =	sne.s32 s0, $0x0;
	_ =	strace $0x9000004D  }
0x3d: {  	s0 =	sadd.s32 @!p0 $0x100000, s1;
	[bflag:$0x2] =	sbarrier.arrive $0xFFFF  }
0x3e: {  	[sflag:s0] =	ssyncadd.tile.s32 @!p0 $0x1;
	_ =	shalt  }
.Lfunc_end2:
_tile_overlayer_lowered:
.L_overlay_start_2:
0x3f: {  	(tag) =	ssettag $0x2  }
0x40: {  	s0 =	rddreg [dreg:$0x0];
	s2 =	stileid.u32  }
0x41: {  	s1 =	rddreg [dreg:$0x1];
	p0 =	sne.s32 s2, $0x0  }
0x42: {  	s3 =	rddreg [dreg:$0x2];
	[bflag:$0x3] =	sbarrier.arrive $0xFFFF;
	s2 =	simm.s32 @!p0 $0x1C02  }
0x43: {  	[timem:s3], [sflag:s2] =	dma.local @!p0 [hbm:s0], s1  }
0x44: {  	s0 =	simm.s32 @!p0 $0x2  }
0x45: {  	_ =	swait.ge @!p0 [sflag:s0], s1  }
0x46: {  	s1 =	ssub.s32 @!p0 $0x0, s1;
	[sflag:s0] =	ssyncset.done @!p0 $0x0  }
0x47: {  	[sflag:s0] =	ssyncadd.s32 @!p0 s1  }
0x48: {  	[bflag:$0x3] =	sbarrier.arrive $0xFFFF  }
0x49: {  	_ =	shalt  }

// kernel: kernel.22.cloned.1.call-start
scs
__scs_entry_jumppad:
0x0: {  	(pc) =	sbr.rel $0x88, $3  }
0x1: {  	(tag) =	ssettag $0x0;
	lr =	simm.s32 $0x1  }
0x2: {  	[smem:$0x3F92] =	sst lr;
	_ =	strace $0xD0000000  }
0x3: {  	_ = 	snop  }
0x4: {  	_ = 	snop  }
0x5: {  	_ = 	snop  }
0x6: {  	_ = 	snop  }
0x7: {  	_ = 	snop  }
__scs_overlays_trampoline_lowered:
0x8: {  	[smem:$0x3FA1] =	sst s0  }
0x9: {  	[smem:$0x3FA2] =	sst s1  }
0xa: {  	[smem:$0x3FA3] =	sst s2  }
0xb: {  	[smem:$0x3FA4] =	sst s3  }
0xc: {  	[smem:$0x3FA5] =	sst s4  }
0xd: {  	[smem:$0x3FA6] =	sst s5  }
0xe: {  	[smem:$0x3FA7] =	sst s6  }
0xf: {  	[smem:$0x3FA8] =	sst s7  }
0x10: {  	[smem:$0x3FA9] =	sst s8  }
0x11: {  	[smem:$0x3FAA] =	sst s9;
	s0 =	simm.s32 @!p0 $0x0  }
0x12: {  	s1 =	sld [smem:$0x3F90];
	s0 =	simm.s32 @p0 $0x1  }
0x13: {  	[smem:$0x3FAB] =	sst s0;
	s0 =	simm.s32 @!p1 $0x0  }
0x14: {  	s2 =	sld [smem:$0x3F8F];
	s0 =	simm.s32 @p1 $0x1  }
0x15: {  	[smem:$0x3FAC] =	sst s0;
	s0 =	simm.s32 @!p2 $0x0  }
0x16: {  	s3 =	sld [smem:$0x3FDB];
	s0 =	simm.s32 @p2 $0x1  }
0x17: {  	s4 =	simm.s32 $0x1BF5;
	[smem:$0x3FAE] =	sst s0  }
0x18: {  	s0 =	sld [smem:$0x3F91];
	_ =	swait.ge [sflag:s4], $0x0  }
0x19: {  	s7 =	sld [smem:$0x3F92]  }
0x1a: {  	s8 =	sadd.s32 $0xFFFFE003, lr  }
0x1b: {  	s9 =	sadd.s32 $0xFFFFFEF7, lr;
	s5 =	simm.s32 $0xFFFFFFFF;
	p2 =	slt.u32 s8, $0xFFFFF086  }
0x1c: {  	p1 =	slt.u32 s9, $0xF7A;
	s5 =	simm.s32 @!p2 $0x0  }
0x1d: {  	s5 =	simm.s32 @p1 $0x1;
	p0 =	seq.s32 s7, s2  }
0x1e: {  	s7 =	smul.u32 @!p0 $0xF7A, s2;
	p2 =	seq.s32 @!p0 s5, $0x0  }
0x1f: {  	s9 =	smul.u32 $0xF7A, s1;
	s8 =	simm.s32 @!p0 $0x1BF5;
	p2 =	por !p2, p0  }
0x20: {  	[sflag:s8] =	ssyncset.s32 @!p0 $0xFFFFF086;
	s6 =	sadd.s32 @!p0 s3, s7;
	s7 =	simm.s32 @!p0 $0x108  }
0x21: {  	s3 =	sadd.s32 s3, s9;
	s6 =	sadd.s32 @!p0 $0x88, s6;
	s7 =	simm.s32 @p2 $0x1082  }
0x22: {  	[simem:s7], [sflag:s8] =	dma.local @!p0 [hbm:s6], $0xF7A  }
0x23: {  	s9 =	sor.u32 $0xD0000000, s2;
	s6 =	simm.s32 $0x108;
	_ =	swait.ge @!p0 [sflag:s8], $0x0  }
0x24: {  	s3 =	sadd.s32 $0x88, s3;
	s6 =	simm.s32 @!p1 $0x1082;
	[sflag:s4] =	ssyncset.s32 $0xFFFFF086  }
0x25: {  	[simem:s6], [sflag:s4] =	dma.local [hbm:s3], $0xF7A  }
0x26: {  	[smem:$0x3F92] =	sst s1;
	(tag) =	ssettag s2;
	_ =	strace s9  }
0x27: {  	s1 =	sld [smem:$0x3FA2]  }
0x28: {  	s2 =	sld [smem:$0x3FA3]  }
0x29: {  	s4 =	sld [smem:$0x3FA5]  }
0x2a: {  	p0 =	seq.s32 s5, $0x0;
	s5 =	sld [smem:$0x3FA6]  }
0x2b: {  	s6 =	sld [smem:$0x3FA7]  }
0x2c: {  	s7 =	sld [smem:$0x3FA8]  }
0x2d: {  	s3 =	simm.s32 $0x108;
	s8 =	sld [smem:$0x3FA9]  }
0x2e: {  	s3 =	simm.s32 @!p0 $0x1082;
	s9 =	sld [smem:$0x3FAA]  }
0x2f: {  	lr =	sadd.s32 s0, s3;
	s0 =	sld [smem:$0x3FA1]  }
0x30: {  	s3 =	sld [smem:$0x3FA4]  }
0x31: {  	[smem:$0x3FAD] =	sst s10  }
0x32: {  	s10 =	sld [smem:$0x3FAB];
	_ =	sdelay $0x3  }
0x33: {  	p0 =	seq.s32 s10, $0x1;
	s10 =	sld [smem:$0x3FAD];
	_ =	sdelay $0x3  }
0x34: {  	[smem:$0x3FAD] =	sst s10  }
0x35: {  	s10 =	sld [smem:$0x3FAC];
	_ =	sdelay $0x3  }
0x36: {  	p1 =	seq.s32 s10, $0x1;
	s10 =	sld [smem:$0x3FAD];
	_ =	sdelay $0x3  }
0x37: {  	[smem:$0x3FAD] =	sst s10  }
0x38: {  	s10 =	sld [smem:$0x3FAE]  }
0x39: {  	_ = 	snop;
	(pc) =	sbr.ind lr, $3  }
0x3a: {  	_ = 	snop  }
0x3b: {  	_ = 	snop  }
0x3c: {  	p2 =	seq.s32 s10, $0x1;
	s10 =	sld [smem:$0x3FAD]  }
0x3d: {  	_ =	shalt  }
0x3e: {  	_ =	shalt  }
0x3f: {  	_ =	shalt  }
0x40: {  	_ =	shalt  }
0x41: {  	_ =	shalt  }
0x42: {  	_ =	shalt  }
0x43: {  	_ =	shalt  }
0x44: {  	_ =	shalt  }
0x45: {  	_ =	shalt  }
0x46: {  	_ =	shalt  }
0x47: {  	_ =	shalt  }
0x48: {  	_ =	shalt  }
0x49: {  	_ =	shalt  }
0x4a: {  	_ =	shalt  }
0x4b: {  	_ =	shalt  }
0x4c: {  	_ =	shalt  }
0x4d: {  	_ =	shalt  }
0x4e: {  	_ =	shalt  }
0x4f: {  	_ =	shalt  }
0x50: {  	_ =	shalt  }
0x51: {  	_ =	shalt  }
0x52: {  	_ =	shalt  }
0x53: {  	_ =	shalt  }
0x54: {  	_ =	shalt  }
0x55: {  	_ =	shalt  }
0x56: {  	_ =	shalt  }
0x57: {  	_ =	shalt  }
0x58: {  	_ =	shalt  }
0x59: {  	_ =	shalt  }
0x5a: {  	_ =	shalt  }
0x5b: {  	_ =	shalt  }
0x5c: {  	_ =	shalt  }
0x5d: {  	_ =	shalt  }
0x5e: {  	_ =	shalt  }
0x5f: {  	_ =	shalt  }
0x60: {  	_ =	shalt  }
0x61: {  	_ =	shalt  }
0x62: {  	_ =	shalt  }
0x63: {  	_ =	shalt  }
0x64: {  	_ =	shalt  }
0x65: {  	_ =	shalt  }
0x66: {  	_ =	shalt  }
0x67: {  	_ =	shalt  }
0x68: {  	_ =	shalt  }
0x69: {  	_ =	shalt  }
0x6a: {  	_ =	shalt  }
0x6b: {  	_ =	shalt  }
0x6c: {  	_ =	shalt  }
0x6d: {  	_ =	shalt  }
0x6e: {  	_ =	shalt  }
0x6f: {  	_ =	shalt  }
0x70: {  	_ =	shalt  }
0x71: {  	_ =	shalt  }
0x72: {  	_ =	shalt  }
0x73: {  	_ =	shalt  }
0x74: {  	_ =	shalt  }
0x75: {  	_ =	shalt  }
0x76: {  	_ =	shalt  }
0x77: {  	_ =	shalt  }
0x78: {  	_ =	shalt  }
0x79: {  	_ =	shalt  }
0x7a: {  	_ =	shalt  }
0x7b: {  	_ =	shalt  }
0x7c: {  	_ =	shalt  }
0x7d: {  	_ =	shalt  }
0x7e: {  	_ =	shalt  }
0x7f: {  	_ =	shalt  }
0x80: {  	_ =	shalt  }
0x81: {  	_ =	shalt  }
0x82: {  	_ =	shalt  }
0x83: {  	_ =	shalt  }
0x84: {  	_ =	shalt  }
0x85: {  	_ =	shalt  }
0x86: {  	_ =	shalt  }
0x87: {  	_ =	shalt  }
.Lfunc_end0:
.L_simem_size_0:
called_computation.3_lowered:
.L_overlay_start_0:
0x88: {  	s2 =	sld [smem:$0x3FD9]  }
0x89: {  	s3 =	sld [smem:$0x3FFE];
	_ =	sdelay $0x1  }
0x8a: {  	s1 =	srdreg.scid  }
0x8b: {  	s0 =	sand.u32 $0x1, s1  }
0x8c: {  	s16 =	sshll.u32 s0, $0xA;
	s2 =	sadd.s32 s3, s2  }
0x8d: {  	s2 =	sadd.s32 s2, s16  }
0x8e: {  	[smem:$0x3FB9] =	sst s2  }
0x8f: {  	_ = 	snop  }
0x90: {  	(tm) =	ssettm $0x1  }
0x91: {  	s17 =	sld [smem:$0x3FFB];
	_ =	sdelay $0x3  }
0x92: {  	_ =	strace s17  }
0x93: {  	s2 =	sld [smem:$0x3FFC];
	_ =	sdelay $0x3  }
0x94: {  	_ =	strace s2  }
0x95: {  	s2 =	sld [smem:$0x3FFD];
	_ =	sdelay $0x3  }
0x96: {  	_ =	strace s2  }
0x97: {  	_ =	strace $0x8FFFFFFF  }
0x98: {  	s18 =	sld [smem:$0x3FDB];
	_ =	sdelay $0x1  }
0x99: {  	s19 =	simm.s32 $_scs_section_size  }
0x9a: {  	s4 =	simm.s32 $_size__tile_overlayer_lowered;
	s5 =	simm.s32 $_tile_overlayer_lowered  }
0x9b: {  	s22 =	simm.s32 $0x1BFF;
	s21 =	sshll.u32 s5, $0x1;
	s2 =	sadd.s32 s19, s18  }
0x9c: {  	s6 =	simm.s32 $0x0;
	s20 =	sshll.u32 s4, $0x1;
	s4 =	sadd.s32 s21, s2  }
0x9d: {  	[timem:s6], [sflag:s22] =	dma.local [hbm:s4], s20  }
0x9e: {  	_ =	swait.ge [sflag:s22], s20  }
0x9f: {  	s3 =	ssub.s32 $0x0, s20;
	[sflag:s22] =	ssyncset.done $0x0  }
0xa0: {  	[sflag:s22] =	ssyncadd.s32 s3;
	_ =	sdelay $0x1  }
0xa1: {  	s23 =	simm.s32 $0x1B8B  }
0xa2: {  	_ =	swait.ge [sflag:s23], $0x1  }
0xa3: {  	[sflag:s23] =	ssyncset.done $0x0  }
0xa4: {  	s25 =	simm.s32 $0x1B8E;
	s24 =	sld [smem:$0x3FFE];
	[sflag:s23] =	ssyncadd.s32 $0xFFFFFFFF  }
0xa5: {  	s26 =	simm.s32 $execute0_lowered;
	[smem:$0x3FD2] =	sst s25  }
0xa6: {  	s4 =	sshll.u32 s26, $0x1;
	_ =	strace $0x8000004F;
	[dreg:$0x1] =	wrdreg $0xFFFFFFFF  }
0xa7: {  	s28 =	simm.s32 $_size_execute0_lowered;
	s2 =	sadd.s32 s2, s4;
	[dreg:$0x0] =	wrdreg $0x0  }
0xa8: {  	s4 =	sshll.u32 s28, $0x1;
	[dreg:$0x2] =	wrdreg s2  }
0xa9: {  	[dreg:$0x3] =	wrdreg s4  }
0xaa: {  	[dreg:$0x4] =	wrdreg $0xC0  }
0xab: {  	_ =	task [dreg:s6], $0x5FFFF  }
0xac: {  	[dreg:$0x1] =	wrdreg $0xFFFFFFFF  }
0xad: {  	[dreg:$0x0] =	wrdreg $0x60  }
0xae: {  	[dreg:$0x2] =	wrdreg s24  }
0xaf: {  	[dreg:$0x3] =	wrdreg $0x90000  }
0xb0: {  	[dreg:$0x4] =	wrdreg $0x9  }
0xb1: {  	_ =	task.clear_ibuf [dreg:s6], $0x5FFFF;
	_ =	strace $0x9000004F  }
0xb2: {  	s29 =	simm.s32 $0x9;
	_ =	strace $0x80000051  }
0xb3: {  	_ =	swait.ge [sflag:s29], $0x1  }
0xb4: {  	[sflag:s29] =	ssyncadd.s32 $0xFFFFFFFF  }
0xb5: {  	_ =	strace $0x90000051  }
0xb6: {  	_ =	sfence  }
0xb7: {  	s30 =	sld [smem:$0x0];
	_ =	sdelay $0x2  }
0xb8: {  	s31 =	sshll.u32 s1, $0xD;
	s1 =	sshrl.u32 s1, $0x2  }
0xb9: {  	s3 =	sand.u32 $0x4000, s31;
	s1 =	sadd.s32 s1, s30  }
0xba: {  	s0 =	sor.u32 s3, s0;
	s1 =	sshll.u32 s1, $0x11  }
0xbb: {  	s0 =	sor.u32 s1, s0  }
0xbc: {  	s0 =	sadd.s32 $0x8F2B, s0  }
0xbd: {  	[sflag:s0] =	ssyncadd.remote.s32 $0x1  }
0xbe: {  	_ =	sfence.sel $0xFFFF  }
0xbf: {  	[dreg:$0x0] =	wrdreg $0xFFFFFFFF;
	(pc) =	sbr.abs _section_cstart, $3  }
0xc0: {  	[dreg:$0x1] =	wrdreg $0xFFFFFFFF  }
0xc1: {  	_ =	task.clear_ibuf [dreg:s6], $0x2FFFF;
	_ =	strace $0x9FFFFFFF  }
0xc2: {  	(tm) =	ssettm $0x7FFFFFFF  }
0xc3: {  	_ =	shalt  }
tec
execute0_lowered:
.L_overlay_start_1:
0x0: {  	(tag) =	ssettag $0x1  }
0x1: {  	s1 =	srdreg.scid;
	s5 =	rddreg [dreg:$0x0]  }
0x2: {  	s0 =	stileid.u32;
	s2 =	rddreg [dreg:$0x1];
	s3 =	simm.s32 $0x0  }
0x3: {  	s14 =	simm.s32 $0x80;
	s15 =	simm.s32 $0x5000;
	s16 =	simm.s32 $0x1  }
0x4: {  	s17 =	simm.s32 $0x0;
	s6 =	sand.u32 $0x1, s1;
	s1 =	rddreg [dreg:$0x2]  }
0x5: {  	s30 =	sshll.u32 s0, $0x1;
	[smem:$0x7FF] =	sst s3;
	s8 =	smul.u32 $0x14000, s0  }
0x6: {  	s31 =	smul.u32 $0x50000, s0;
	s12 =	sshll.u32 s0, $0x6;
	s4 =	sor.u32 s6, s30  }
0x7: {  	_ =	strace $0x80000050;
	s9 =	smul.u32 $0x140000, s6;
	s6 =	ssub.s32 $0x2, s6  }
0x8: {  	s12 =	sor.u32 $0x1C02, s12;
	s7 =	smul.u32 $0x500, s4;
	s4 =	sadd.s32 $0x36C00, s5  }
0x9: {  	s10 =	sshrl.u32 s8, $0x3;
	s11 =	sshrl.u32 s6, $0x1;
	s8 =	sadd.s32 s8, s9  }
0xa: {  	s10 =	sadd.s32 s10, s5;
	s11 =	ssub.s32 s6, s11;
	s9 =	sshrl.u32 s31, $0x2  }
0xb: {  	s7 =	sadd.s32 s7, s5;
	s8 =	sshrl.u32 s8, $0x3;
	s13 =	sadd.s32 s9, s2  }
0xc: {  	s9 =	smax.u32 s11, $0x1;
	s11 =	simm.s32 $0x2800;
	s8 =	sadd.s32 s8, s5  }
0xd: {  	s5 =	sadd.s32 $0x87400, s7;
	s6 =	sadd.s32 $0x4C00, s7;
	s7 =	sadd.s32 $0xEC00, s10  }
0xe: {  	s10 =	simm.s32 $0x2;
	s13 =	sshrl.u32 s13, $0x3;
	s8 =	sadd.s32 $0x91400, s8  }
.LBB2_1:
0xf: {  	[tilespmem:s3], [sflag:$0x2] =	stream.linear.gather [hbm4b:s5+s3], $0x2780, $0x38;
	[tilespmem:$0x1D000] =	vst v63  }
0x10: {  	_ =	swait.ge [sflag:s10], $0x2780  }
0x11: {  	[sflag:s10] =	ssyncset.done $0x0  }
0x12: {  	[sflag:s10] =	ssyncadd.s32 $0xFFFFD880  }
0x13: {  	[tilespmem:s11], [sflag:$0x2] =	stream.linear.gather [hbm4b:s6+s3], $0x2780, $0x38;
	[tilespmem:$0x1D000] =	vst v63  }
0x14: {  	_ =	swait.ge [sflag:s10], $0x2780  }
0x15: {  	[sflag:s10] =	ssyncset.done $0x0  }
0x16: {  	[sflag:s10] =	ssyncadd.s32 $0xFFFFD880  }
0x17: {  	[spmem:s13], [sflag:s12] =	dma.local [hbm:s7], $0x2800  }
0x18: {  	_ =	swait.ge [sflag:s10], $0x2800  }
0x19: {  	[sflag:s10] =	ssyncset.done $0x0  }
0x1a: {  	[sflag:s10] =	ssyncadd.s32 $0xFFFFD800  }
0x1b: {  	s18 =	simm.s32 $0x0;
	[bflag:$0x0] =	sbarrier.arrive $0xFFFF  }
0x1c: {  	[tilespmem:s15], [sflag:$0x1] =	stream.indirect.gather [hbm4b:s4+s14], $0x80, s18, s14, $0xb8;
	[tilespmem:$0x1D000] =	vst v63  }
0x1d: {  	_ =	swait.ge [sflag:s16], $0x4000  }
0x1e: {  	[sflag:s16] =	ssyncset.done $0x0  }
0x1f: {  	s31 =	simm.s32 $0x2800;
	[sflag:s16] =	ssyncadd.s32 $0xFFFFC000  }
0x20: {  	[spmem:s2] =	stream.indirect.scatter.add.f32 [tilespmem:s15], [sflag:$0x2], $0x80, s31, s14, $0xb8;
	[tilespmem:$0x1D000] =	vst v63  }
0x21: {  	_ =	swait.ge [sflag:s10], $0x4000  }
0x22: {  	s19 =	simm.s32 $0x400;
	s18 =	simm.s32 $0x200;
	[sflag:s10] =	ssyncset.done $0x0  }
.LBB2_2:
0x23: {  	s20 =	sshra.s32 s18, $0x2  }
0x24: {  	[sflag:s10] =	ssyncadd.s32 $0xFFFFC000;
	s18 =	smov.u32 s19;
	s21 =	sadd.s32 $0x200, s19  }
0x25: {  	[tilespmem:s15], [sflag:$0x1] =	stream.indirect.gather [hbm4b:s4+s14], $0x80, s20, s14, $0xb8;
	[tilespmem:$0x1D000] =	vst v63  }
0x26: {  	p0 =	sne.s32 s19, $0x9C00;
	_ =	swait.ge [sflag:s16], $0x4000  }
.Ltmp0:
0x27: {  	[sflag:s16] =	ssyncset.done $0x0;
	(pc) =	sbr.rel @p0 .LBB2_2-.Ltmp0, $4  }
0x28: {  	s19 =	sadd.s32 $0x2800, s20;
	[sflag:s16] =	ssyncadd.s32 $0xFFFFC000  }
0x29: {  	[spmem:s2] =	stream.indirect.scatter.add.f32 [tilespmem:s15], [sflag:$0x2], $0x80, s19, s14, $0xb8;
	[tilespmem:$0x1D000] =	vst v63  }
0x2a: {  	_ =	swait.ge [sflag:s10], $0x4000  }
0x2b: {  	s19 =	smov.u32 s21;
	[sflag:s10] =	ssyncset.done $0x0  }
0x2c: {  	s18 =	sshra.s32 s18, $0x2;
	[sflag:s10] =	ssyncadd.s32 $0xFFFFC000  }
0x2d: {  	[tilespmem:s15], [sflag:$0x1] =	stream.indirect.gather [hbm4b:s4+s14], $0x80, s18, s14, $0xb8;
	[tilespmem:$0x1D000] =	vst v63  }
0x2e: {  	_ =	swait.ge [sflag:s16], $0x4000  }
0x2f: {  	[sflag:s16] =	ssyncset.done $0x0  }
0x30: {  	s18 =	sadd.s32 $0x2800, s18;
	[sflag:s16] =	ssyncadd.s32 $0xFFFFC000  }
0x31: {  	[spmem:s2] =	stream.indirect.scatter.add.f32 [tilespmem:s15], [sflag:$0x2], $0x80, s18, s14, $0xb8;
	[tilespmem:$0x1D000] =	vst v63  }
0x32: {  	_ =	swait.ge [sflag:s10], $0x4000  }
0x33: {  	s17 =	sadd.s32 $0x1, s17;
	[sflag:s10] =	ssyncset.done $0x0  }
0x34: {  	p0 =	sne.s32 s17, s9;
	[sflag:s10] =	ssyncadd.s32 $0xFFFFC000  }
.Ltmp1:
0x35: {  	[bflag:$0x0] =	sbarrier.arrive $0xFFFF;
	(pc) =	sbr.rel @p0 .LBB2_1-.Ltmp1, $4  }
0x36: {  	[hbm:s8], [sflag:s12] =	dma.local [spmem:s13], $0x2800  }
0x37: {  	_ =	swait.ge [sflag:s10], $0x2800  }
0x38: {  	[sflag:s10] =	ssyncset.done $0x0  }
0x39: {  	[sflag:s10] =	ssyncadd.s32 $0xFFFFD800  }
0x3a: {  	_ =	sfence.sel $0x180000  }
0x3b: {  	[bflag:$0x0] =	sbarrier.arrive $0xFFFF  }
0x3c: {  	p0 =	sne.s32 s0, $0x0;
	_ =	strace $0x90000050  }
0x3d: {  	s0 =	sadd.s32 @!p0 $0x100000, s1;
	[bflag:$0x2] =	sbarrier.arrive $0xFFFF  }
0x3e: {  	[sflag:s0] =	ssyncadd.tile.s32 @!p0 $0x1;
	_ =	shalt  }
.Lfunc_end2:
_tile_overlayer_lowered:
.L_overlay_start_2:
0x3f: {  	(tag) =	ssettag $0x2  }
0x40: {  	s0 =	rddreg [dreg:$0x0];
	s2 =	stileid.u32  }
0x41: {  	s1 =	rddreg [dreg:$0x1];
	p0 =	sne.s32 s2, $0x0  }
0x42: {  	s3 =	rddreg [dreg:$0x2];
	[bflag:$0x3] =	sbarrier.arrive $0xFFFF;
	s2 =	simm.s32 @!p0 $0x1C02  }
0x43: {  	[timem:s3], [sflag:s2] =	dma.local @!p0 [hbm:s0], s1  }
0x44: {  	s0 =	simm.s32 @!p0 $0x2  }
0x45: {  	_ =	swait.ge @!p0 [sflag:s0], s1  }
0x46: {  	s1 =	ssub.s32 @!p0 $0x0, s1;
	[sflag:s0] =	ssyncset.done @!p0 $0x0  }
0x47: {  	[sflag:s0] =	ssyncadd.s32 @!p0 s1  }
0x48: {  	[bflag:$0x3] =	sbarrier.arrive $0xFFFF  }
0x49: {  	_ =	shalt  }

// kernel: kernel.25.cloned.1.call-start
scs
__scs_entry_jumppad:
0x0: {  	(pc) =	sbr.rel $0x88, $3  }
0x1: {  	(tag) =	ssettag $0x0;
	lr =	simm.s32 $0x1  }
0x2: {  	[smem:$0x3F92] =	sst lr;
	_ =	strace $0xD0000000  }
0x3: {  	_ = 	snop  }
0x4: {  	_ = 	snop  }
0x5: {  	_ = 	snop  }
0x6: {  	_ = 	snop  }
0x7: {  	_ = 	snop  }
__scs_overlays_trampoline_lowered:
0x8: {  	[smem:$0x3FA1] =	sst s0  }
0x9: {  	[smem:$0x3FA2] =	sst s1  }
0xa: {  	[smem:$0x3FA3] =	sst s2  }
0xb: {  	[smem:$0x3FA4] =	sst s3  }
0xc: {  	[smem:$0x3FA5] =	sst s4  }
0xd: {  	[smem:$0x3FA6] =	sst s5  }
0xe: {  	[smem:$0x3FA7] =	sst s6  }
0xf: {  	[smem:$0x3FA8] =	sst s7  }
0x10: {  	[smem:$0x3FA9] =	sst s8  }
0x11: {  	[smem:$0x3FAA] =	sst s9;
	s0 =	simm.s32 @!p0 $0x0  }
0x12: {  	s1 =	sld [smem:$0x3F90];
	s0 =	simm.s32 @p0 $0x1  }
0x13: {  	[smem:$0x3FAB] =	sst s0;
	s0 =	simm.s32 @!p1 $0x0  }
0x14: {  	s2 =	sld [smem:$0x3F8F];
	s0 =	simm.s32 @p1 $0x1  }
0x15: {  	[smem:$0x3FAC] =	sst s0;
	s0 =	simm.s32 @!p2 $0x0  }
0x16: {  	s3 =	sld [smem:$0x3FDB];
	s0 =	simm.s32 @p2 $0x1  }
0x17: {  	s4 =	simm.s32 $0x1BF5;
	[smem:$0x3FAE] =	sst s0  }
0x18: {  	s0 =	sld [smem:$0x3F91];
	_ =	swait.ge [sflag:s4], $0x0  }
0x19: {  	s7 =	sld [smem:$0x3F92]  }
0x1a: {  	s8 =	sadd.s32 $0xFFFFE003, lr  }
0x1b: {  	s9 =	sadd.s32 $0xFFFFFEF7, lr;
	s5 =	simm.s32 $0xFFFFFFFF;
	p2 =	slt.u32 s8, $0xFFFFF086  }
0x1c: {  	p1 =	slt.u32 s9, $0xF7A;
	s5 =	simm.s32 @!p2 $0x0  }
0x1d: {  	s5 =	simm.s32 @p1 $0x1;
	p0 =	seq.s32 s7, s2  }
0x1e: {  	s7 =	smul.u32 @!p0 $0xF7A, s2;
	p2 =	seq.s32 @!p0 s5, $0x0  }
0x1f: {  	s9 =	smul.u32 $0xF7A, s1;
	s8 =	simm.s32 @!p0 $0x1BF5;
	p2 =	por !p2, p0  }
0x20: {  	[sflag:s8] =	ssyncset.s32 @!p0 $0xFFFFF086;
	s6 =	sadd.s32 @!p0 s3, s7;
	s7 =	simm.s32 @!p0 $0x108  }
0x21: {  	s3 =	sadd.s32 s3, s9;
	s6 =	sadd.s32 @!p0 $0x88, s6;
	s7 =	simm.s32 @p2 $0x1082  }
0x22: {  	[simem:s7], [sflag:s8] =	dma.local @!p0 [hbm:s6], $0xF7A  }
0x23: {  	s9 =	sor.u32 $0xD0000000, s2;
	s6 =	simm.s32 $0x108;
	_ =	swait.ge @!p0 [sflag:s8], $0x0  }
0x24: {  	s3 =	sadd.s32 $0x88, s3;
	s6 =	simm.s32 @!p1 $0x1082;
	[sflag:s4] =	ssyncset.s32 $0xFFFFF086  }
0x25: {  	[simem:s6], [sflag:s4] =	dma.local [hbm:s3], $0xF7A  }
0x26: {  	[smem:$0x3F92] =	sst s1;
	(tag) =	ssettag s2;
	_ =	strace s9  }
0x27: {  	s1 =	sld [smem:$0x3FA2]  }
0x28: {  	s2 =	sld [smem:$0x3FA3]  }
0x29: {  	s4 =	sld [smem:$0x3FA5]  }
0x2a: {  	p0 =	seq.s32 s5, $0x0;
	s5 =	sld [smem:$0x3FA6]  }
0x2b: {  	s6 =	sld [smem:$0x3FA7]  }
0x2c: {  	s7 =	sld [smem:$0x3FA8]  }
0x2d: {  	s3 =	simm.s32 $0x108;
	s8 =	sld [smem:$0x3FA9]  }
0x2e: {  	s3 =	simm.s32 @!p0 $0x1082;
	s9 =	sld [smem:$0x3FAA]  }
0x2f: {  	lr =	sadd.s32 s0, s3;
	s0 =	sld [smem:$0x3FA1]  }
0x30: {  	s3 =	sld [smem:$0x3FA4]  }
0x31: {  	[smem:$0x3FAD] =	sst s10  }
0x32: {  	s10 =	sld [smem:$0x3FAB];
	_ =	sdelay $0x3  }
0x33: {  	p0 =	seq.s32 s10, $0x1;
	s10 =	sld [smem:$0x3FAD];
	_ =	sdelay $0x3  }
0x34: {  	[smem:$0x3FAD] =	sst s10  }
0x35: {  	s10 =	sld [smem:$0x3FAC];
	_ =	sdelay $0x3  }
0x36: {  	p1 =	seq.s32 s10, $0x1;
	s10 =	sld [smem:$0x3FAD];
	_ =	sdelay $0x3  }
0x37: {  	[smem:$0x3FAD] =	sst s10  }
0x38: {  	s10 =	sld [smem:$0x3FAE]  }
0x39: {  	_ = 	snop;
	(pc) =	sbr.ind lr, $3  }
0x3a: {  	_ = 	snop  }
0x3b: {  	_ = 	snop  }
0x3c: {  	p2 =	seq.s32 s10, $0x1;
	s10 =	sld [smem:$0x3FAD]  }
0x3d: {  	_ =	shalt  }
0x3e: {  	_ =	shalt  }
0x3f: {  	_ =	shalt  }
0x40: {  	_ =	shalt  }
0x41: {  	_ =	shalt  }
0x42: {  	_ =	shalt  }
0x43: {  	_ =	shalt  }
0x44: {  	_ =	shalt  }
0x45: {  	_ =	shalt  }
0x46: {  	_ =	shalt  }
0x47: {  	_ =	shalt  }
0x48: {  	_ =	shalt  }
0x49: {  	_ =	shalt  }
0x4a: {  	_ =	shalt  }
0x4b: {  	_ =	shalt  }
0x4c: {  	_ =	shalt  }
0x4d: {  	_ =	shalt  }
0x4e: {  	_ =	shalt  }
0x4f: {  	_ =	shalt  }
0x50: {  	_ =	shalt  }
0x51: {  	_ =	shalt  }
0x52: {  	_ =	shalt  }
0x53: {  	_ =	shalt  }
0x54: {  	_ =	shalt  }
0x55: {  	_ =	shalt  }
0x56: {  	_ =	shalt  }
0x57: {  	_ =	shalt  }
0x58: {  	_ =	shalt  }
0x59: {  	_ =	shalt  }
0x5a: {  	_ =	shalt  }
0x5b: {  	_ =	shalt  }
0x5c: {  	_ =	shalt  }
0x5d: {  	_ =	shalt  }
0x5e: {  	_ =	shalt  }
0x5f: {  	_ =	shalt  }
0x60: {  	_ =	shalt  }
0x61: {  	_ =	shalt  }
0x62: {  	_ =	shalt  }
0x63: {  	_ =	shalt  }
0x64: {  	_ =	shalt  }
0x65: {  	_ =	shalt  }
0x66: {  	_ =	shalt  }
0x67: {  	_ =	shalt  }
0x68: {  	_ =	shalt  }
0x69: {  	_ =	shalt  }
0x6a: {  	_ =	shalt  }
0x6b: {  	_ =	shalt  }
0x6c: {  	_ =	shalt  }
0x6d: {  	_ =	shalt  }
0x6e: {  	_ =	shalt  }
0x6f: {  	_ =	shalt  }
0x70: {  	_ =	shalt  }
0x71: {  	_ =	shalt  }
0x72: {  	_ =	shalt  }
0x73: {  	_ =	shalt  }
0x74: {  	_ =	shalt  }
0x75: {  	_ =	shalt  }
0x76: {  	_ =	shalt  }
0x77: {  	_ =	shalt  }
0x78: {  	_ =	shalt  }
0x79: {  	_ =	shalt  }
0x7a: {  	_ =	shalt  }
0x7b: {  	_ =	shalt  }
0x7c: {  	_ =	shalt  }
0x7d: {  	_ =	shalt  }
0x7e: {  	_ =	shalt  }
0x7f: {  	_ =	shalt  }
0x80: {  	_ =	shalt  }
0x81: {  	_ =	shalt  }
0x82: {  	_ =	shalt  }
0x83: {  	_ =	shalt  }
0x84: {  	_ =	shalt  }
0x85: {  	_ =	shalt  }
0x86: {  	_ =	shalt  }
0x87: {  	_ =	shalt  }
.Lfunc_end0:
.L_simem_size_0:
called_computation.4_lowered:
.L_overlay_start_0:
0x88: {  	s2 =	sld [smem:$0x3FD9]  }
0x89: {  	s3 =	sld [smem:$0x3FFE];
	_ =	sdelay $0x1  }
0x8a: {  	s1 =	srdreg.scid  }
0x8b: {  	s0 =	sand.u32 $0x1, s1  }
0x8c: {  	s16 =	sshll.u32 s0, $0xA;
	s2 =	sadd.s32 s3, s2  }
0x8d: {  	s2 =	sadd.s32 s2, s16  }
0x8e: {  	[smem:$0x3FB9] =	sst s2  }
0x8f: {  	_ = 	snop  }
0x90: {  	(tm) =	ssettm $0x1  }
0x91: {  	s17 =	sld [smem:$0x3FFB];
	_ =	sdelay $0x3  }
0x92: {  	_ =	strace s17  }
0x93: {  	s2 =	sld [smem:$0x3FFC];
	_ =	sdelay $0x3  }
0x94: {  	_ =	strace s2  }
0x95: {  	s2 =	sld [smem:$0x3FFD];
	_ =	sdelay $0x3  }
0x96: {  	_ =	strace s2  }
0x97: {  	_ =	strace $0x8FFFFFFF  }
0x98: {  	s18 =	sld [smem:$0x3FDB];
	_ =	sdelay $0x1  }
0x99: {  	s19 =	simm.s32 $_scs_section_size  }
0x9a: {  	s4 =	simm.s32 $_size__tile_overlayer_lowered;
	s5 =	simm.s32 $_tile_overlayer_lowered  }
0x9b: {  	s22 =	simm.s32 $0x1BFF;
	s21 =	sshll.u32 s5, $0x1;
	s2 =	sadd.s32 s19, s18  }
0x9c: {  	s6 =	simm.s32 $0x0;
	s20 =	sshll.u32 s4, $0x1;
	s4 =	sadd.s32 s21, s2  }
0x9d: {  	[timem:s6], [sflag:s22] =	dma.local [hbm:s4], s20  }
0x9e: {  	_ =	swait.ge [sflag:s22], s20  }
0x9f: {  	s3 =	ssub.s32 $0x0, s20;
	[sflag:s22] =	ssyncset.done $0x0  }
0xa0: {  	[sflag:s22] =	ssyncadd.s32 s3;
	_ =	sdelay $0x1  }
0xa1: {  	s23 =	simm.s32 $0x1B8B  }
0xa2: {  	_ =	swait.ge [sflag:s23], $0x1  }
0xa3: {  	[sflag:s23] =	ssyncset.done $0x0  }
0xa4: {  	s25 =	simm.s32 $0x1B8E;
	s24 =	sld [smem:$0x3FFE];
	[sflag:s23] =	ssyncadd.s32 $0xFFFFFFFF  }
0xa5: {  	s26 =	simm.s32 $execute0_lowered;
	[smem:$0x3FD2] =	sst s25  }
0xa6: {  	s4 =	sshll.u32 s26, $0x1;
	_ =	strace $0x80000052;
	[dreg:$0x1] =	wrdreg $0xFFFFFFFF  }
0xa7: {  	s28 =	simm.s32 $_size_execute0_lowered;
	s2 =	sadd.s32 s2, s4;
	[dreg:$0x0] =	wrdreg $0x0  }
0xa8: {  	s4 =	sshll.u32 s28, $0x1;
	[dreg:$0x2] =	wrdreg s2  }
0xa9: {  	[dreg:$0x3] =	wrdreg s4  }
0xaa: {  	[dreg:$0x4] =	wrdreg $0xC0  }
0xab: {  	_ =	task [dreg:s6], $0x5FFFF  }
0xac: {  	[dreg:$0x1] =	wrdreg $0xFFFFFFFF  }
0xad: {  	[dreg:$0x0] =	wrdreg $0x60  }
0xae: {  	[dreg:$0x2] =	wrdreg s24  }
0xaf: {  	[dreg:$0x3] =	wrdreg $0x90000  }
0xb0: {  	[dreg:$0x4] =	wrdreg $0x9  }
0xb1: {  	_ =	task.clear_ibuf [dreg:s6], $0x5FFFF;
	_ =	strace $0x90000052  }
0xb2: {  	s29 =	simm.s32 $0x9;
	_ =	strace $0x80000054  }
0xb3: {  	_ =	swait.ge [sflag:s29], $0x1  }
0xb4: {  	[sflag:s29] =	ssyncadd.s32 $0xFFFFFFFF  }
0xb5: {  	_ =	strace $0x90000054  }
0xb6: {  	_ =	sfence  }
0xb7: {  	s30 =	sld [smem:$0x0];
	_ =	sdelay $0x2  }
0xb8: {  	s31 =	sshll.u32 s1, $0xD;
	s1 =	sshrl.u32 s1, $0x2  }
0xb9: {  	s3 =	sand.u32 $0x4000, s31;
	s1 =	sadd.s32 s1, s30  }
0xba: {  	s0 =	sor.u32 s3, s0;
	s1 =	sshll.u32 s1, $0x11  }
0xbb: {  	s0 =	sor.u32 s1, s0  }
0xbc: {  	s0 =	sadd.s32 $0x8F2B, s0  }
0xbd: {  	[sflag:s0] =	ssyncadd.remote.s32 $0x1  }
0xbe: {  	_ =	sfence.sel $0xFFFF  }
0xbf: {  	[dreg:$0x0] =	wrdreg $0xFFFFFFFF;
	(pc) =	sbr.abs _section_cstart, $3  }
0xc0: {  	[dreg:$0x1] =	wrdreg $0xFFFFFFFF  }
0xc1: {  	_ =	task.clear_ibuf [dreg:s6], $0x2FFFF;
	_ =	strace $0x9FFFFFFF  }
0xc2: {  	(tm) =	ssettm $0x7FFFFFFF  }
0xc3: {  	_ =	shalt  }
tec
execute0_lowered:
.L_overlay_start_1:
0x0: {  	(tag) =	ssettag $0x1  }
0x1: {  	s1 =	srdreg.scid;
	s5 =	rddreg [dreg:$0x0]  }
0x2: {  	s0 =	stileid.u32;
	s2 =	rddreg [dreg:$0x1];
	s3 =	simm.s32 $0x0  }
0x3: {  	s14 =	simm.s32 $0x80;
	s15 =	simm.s32 $0x5000;
	s16 =	simm.s32 $0x1  }
0x4: {  	s17 =	simm.s32 $0x0;
	s6 =	sand.u32 $0x1, s1;
	s1 =	rddreg [dreg:$0x2]  }
0x5: {  	s30 =	sshll.u32 s0, $0x1;
	[smem:$0x7FF] =	sst s3;
	s8 =	smul.u32 $0x14000, s0  }
0x6: {  	s31 =	smul.u32 $0x50000, s0;
	s12 =	sshll.u32 s0, $0x6;
	s4 =	sor.u32 s6, s30  }
0x7: {  	_ =	strace $0x80000053;
	s9 =	smul.u32 $0x140000, s6;
	s6 =	ssub.s32 $0x2, s6  }
0x8: {  	s12 =	sor.u32 $0x1C02, s12;
	s7 =	smul.u32 $0x500, s4;
	s4 =	sadd.s32 $0x36C00, s5  }
0x9: {  	s10 =	sshrl.u32 s8, $0x3;
	s11 =	sshrl.u32 s6, $0x1;
	s8 =	sadd.s32 s8, s9  }
0xa: {  	s10 =	sadd.s32 s10, s5;
	s11 =	ssub.s32 s6, s11;
	s9 =	sshrl.u32 s31, $0x2  }
0xb: {  	s7 =	sadd.s32 s7, s5;
	s8 =	sshrl.u32 s8, $0x3;
	s13 =	sadd.s32 s9, s2  }
0xc: {  	s9 =	smax.u32 s11, $0x1;
	s11 =	simm.s32 $0x2800;
	s8 =	sadd.s32 s8, s5  }
0xd: {  	s5 =	sadd.s32 $0x87400, s7;
	s6 =	sadd.s32 $0x4C00, s7;
	s7 =	sadd.s32 $0xEC00, s10  }
0xe: {  	s10 =	simm.s32 $0x2;
	s13 =	sshrl.u32 s13, $0x3;
	s8 =	sadd.s32 $0x91400, s8  }
.LBB2_1:
0xf: {  	[tilespmem:s3], [sflag:$0x2] =	stream.linear.gather [hbm4b:s5+s3], $0x2780, $0x38;
	[tilespmem:$0x1D000] =	vst v63  }
0x10: {  	_ =	swait.ge [sflag:s10], $0x2780  }
0x11: {  	[sflag:s10] =	ssyncset.done $0x0  }
0x12: {  	[sflag:s10] =	ssyncadd.s32 $0xFFFFD880  }
0x13: {  	[tilespmem:s11], [sflag:$0x2] =	stream.linear.gather [hbm4b:s6+s3], $0x2780, $0x38;
	[tilespmem:$0x1D000] =	vst v63  }
0x14: {  	_ =	swait.ge [sflag:s10], $0x2780  }
0x15: {  	[sflag:s10] =	ssyncset.done $0x0  }
0x16: {  	[sflag:s10] =	ssyncadd.s32 $0xFFFFD880  }
0x17: {  	[spmem:s13], [sflag:s12] =	dma.local [hbm:s7], $0x2800  }
0x18: {  	_ =	swait.ge [sflag:s10], $0x2800  }
0x19: {  	[sflag:s10] =	ssyncset.done $0x0  }
0x1a: {  	[sflag:s10] =	ssyncadd.s32 $0xFFFFD800  }
0x1b: {  	s18 =	simm.s32 $0x0;
	[bflag:$0x0] =	sbarrier.arrive $0xFFFF  }
0x1c: {  	[tilespmem:s15], [sflag:$0x1] =	stream.indirect.gather [hbm4b:s4+s14], $0x80, s18, s14, $0xb8;
	[tilespmem:$0x1D000] =	vst v63  }
0x1d: {  	_ =	swait.ge [sflag:s16], $0x4000  }
0x1e: {  	[sflag:s16] =	ssyncset.done $0x0  }
0x1f: {  	s31 =	simm.s32 $0x2800;
	[sflag:s16] =	ssyncadd.s32 $0xFFFFC000  }
0x20: {  	[spmem:s2] =	stream.indirect.scatter.add.f32 [tilespmem:s15], [sflag:$0x2], $0x80, s31, s14, $0xb8;
	[tilespmem:$0x1D000] =	vst v63  }
0x21: {  	_ =	swait.ge [sflag:s10], $0x4000  }
0x22: {  	s19 =	simm.s32 $0x400;
	s18 =	simm.s32 $0x200;
	[sflag:s10] =	ssyncset.done $0x0  }
.LBB2_2:
0x23: {  	s20 =	sshra.s32 s18, $0x2  }
0x24: {  	[sflag:s10] =	ssyncadd.s32 $0xFFFFC000;
	s18 =	smov.u32 s19;
	s21 =	sadd.s32 $0x200, s19  }
0x25: {  	[tilespmem:s15], [sflag:$0x1] =	stream.indirect.gather [hbm4b:s4+s14], $0x80, s20, s14, $0xb8;
	[tilespmem:$0x1D000] =	vst v63  }
0x26: {  	p0 =	sne.s32 s19, $0x9C00;
	_ =	swait.ge [sflag:s16], $0x4000  }
.Ltmp0:
0x27: {  	[sflag:s16] =	ssyncset.done $0x0;
	(pc) =	sbr.rel @p0 .LBB2_2-.Ltmp0, $4  }
0x28: {  	s19 =	sadd.s32 $0x2800, s20;
	[sflag:s16] =	ssyncadd.s32 $0xFFFFC000  }
0x29: {  	[spmem:s2] =	stream.indirect.scatter.add.f32 [tilespmem:s15], [sflag:$0x2], $0x80, s19, s14, $0xb8;
	[tilespmem:$0x1D000] =	vst v63  }
0x2a: {  	_ =	swait.ge [sflag:s10], $0x4000  }
0x2b: {  	s19 =	smov.u32 s21;
	[sflag:s10] =	ssyncset.done $0x0  }
0x2c: {  	s18 =	sshra.s32 s18, $0x2;
	[sflag:s10] =	ssyncadd.s32 $0xFFFFC000  }
0x2d: {  	[tilespmem:s15], [sflag:$0x1] =	stream.indirect.gather [hbm4b:s4+s14], $0x80, s18, s14, $0xb8;
	[tilespmem:$0x1D000] =	vst v63  }
0x2e: {  	_ =	swait.ge [sflag:s16], $0x4000  }
0x2f: {  	[sflag:s16] =	ssyncset.done $0x0  }
0x30: {  	s18 =	sadd.s32 $0x2800, s18;
	[sflag:s16] =	ssyncadd.s32 $0xFFFFC000  }
0x31: {  	[spmem:s2] =	stream.indirect.scatter.add.f32 [tilespmem:s15], [sflag:$0x2], $0x80, s18, s14, $0xb8;
	[tilespmem:$0x1D000] =	vst v63  }
0x32: {  	_ =	swait.ge [sflag:s10], $0x4000  }
0x33: {  	s17 =	sadd.s32 $0x1, s17;
	[sflag:s10] =	ssyncset.done $0x0  }
0x34: {  	p0 =	sne.s32 s17, s9;
	[sflag:s10] =	ssyncadd.s32 $0xFFFFC000  }
.Ltmp1:
0x35: {  	[bflag:$0x0] =	sbarrier.arrive $0xFFFF;
	(pc) =	sbr.rel @p0 .LBB2_1-.Ltmp1, $4  }
0x36: {  	[hbm:s8], [sflag:s12] =	dma.local [spmem:s13], $0x2800  }
0x37: {  	_ =	swait.ge [sflag:s10], $0x2800  }
0x38: {  	[sflag:s10] =	ssyncset.done $0x0  }
0x39: {  	[sflag:s10] =	ssyncadd.s32 $0xFFFFD800  }
0x3a: {  	_ =	sfence.sel $0x180000  }
0x3b: {  	[bflag:$0x0] =	sbarrier.arrive $0xFFFF  }
0x3c: {  	p0 =	sne.s32 s0, $0x0;
	_ =	strace $0x90000053  }
0x3d: {  	s0 =	sadd.s32 @!p0 $0x100000, s1;
	[bflag:$0x2] =	sbarrier.arrive $0xFFFF  }
0x3e: {  	[sflag:s0] =	ssyncadd.tile.s32 @!p0 $0x1;
	_ =	shalt  }
.Lfunc_end2:
_tile_overlayer_lowered:
.L_overlay_start_2:
0x3f: {  	(tag) =	ssettag $0x2  }
0x40: {  	s0 =	rddreg [dreg:$0x0];
	s2 =	stileid.u32  }
0x41: {  	s1 =	rddreg [dreg:$0x1];
	p0 =	sne.s32 s2, $0x0  }
0x42: {  	s3 =	rddreg [dreg:$0x2];
	[bflag:$0x3] =	sbarrier.arrive $0xFFFF;
	s2 =	simm.s32 @!p0 $0x1C02  }
0x43: {  	[timem:s3], [sflag:s2] =	dma.local @!p0 [hbm:s0], s1  }
0x44: {  	s0 =	simm.s32 @!p0 $0x2  }
0x45: {  	_ =	swait.ge @!p0 [sflag:s0], s1  }
0x46: {  	s1 =	ssub.s32 @!p0 $0x0, s1;
	[sflag:s0] =	ssyncset.done @!p0 $0x0  }
0x47: {  	[sflag:s0] =	ssyncadd.s32 @!p0 s1  }
0x48: {  	[bflag:$0x3] =	sbarrier.arrive $0xFFFF  }
0x49: {  	_ =	shalt  }

</sc_bundles>
